<compile_context>
chip_gen: v7x
topology: tpu7x:2x2x1
jax: 0.10.2.dev20260603
libtpu: 0.0.44.dev20260713+nightly
codegen_flags: <defaults>
</compile_context>

<pallas_src>
import functools

import jax
import jax.numpy as jnp
from jax import lax
from jax.experimental import pallas as pl
from jax.experimental.pallas import tpu as pltpu
from jax.experimental.pallas import tpu_sc as plsc

_IDX_CHUNK = 128
_TILE = 128


@functools.lru_cache(maxsize=None)
def _build(V, B, fs, w, h):
    info = plsc.get_sparse_core_info()
    NC, NS = info.num_cores, info.num_subcores
    NW = NC * NS
    bpw = B // NW
    nchunk = bpw // _IDX_CHUNK
    mesh = plsc.VectorSubcoreMesh(core_axis_name="c", subcore_axis_name="s")
    scale = (fs, fs, w, h)

    @functools.partial(
        pl.kernel,
        mesh=mesh,
        compiler_params=pltpu.CompilerParams(needs_layout_passes=False),
        out_type=tuple(
            jax.ShapeDtypeStruct((B,), jnp.float32) for _ in range(5)),
        scratch_types=[
            pltpu.VMEM((nchunk, _IDX_CHUNK), jnp.int32),
            pltpu.VMEM((nchunk, _IDX_CHUNK), jnp.int32),
            pltpu.VMEM((_IDX_CHUNK, 4, _TILE), jnp.float32),
        ] + [pltpu.VMEM((bpw,), jnp.float32) for _ in range(5)] + [
            pltpu.SemaphoreType.DMA,
            pltpu.SemaphoreType.DMA,
        ],
    )
    def k(idx_hbm, tab3_hbm, dist_hbm,
          fx_hbm, fy_hbm, x0_hbm, y0_hbm, dout_hbm,
          idx_v, tidx_v, blk_v, g0, g1, g2, g3, g4, sem_c, sem_d):
        wid = lax.axis_index("s") * NC + lax.axis_index("c")
        pltpu.sync_copy(idx_hbm.at[pl.ds(wid * nchunk, nchunk)], idx_v)
        gbufs = (g0, g1, g2, g3)

        dcopies = [
            pltpu.async_copy(
                dist_hbm.at[idx_v.at[j]],
                g4.at[pl.ds(j * _IDX_CHUNK, _IDX_CHUNK)], sem_d)
            for j in range(nchunk)
        ]

        def tile_step(t, carry):
            j = t // 8
            sl = pl.ds(16 * (t % 8), 16)
            tidx_v[j, sl] = lax.shift_right_logical(idx_v[j, sl], 7)
            return carry

        lax.fori_loop(0, nchunk * 8, tile_step, 0)

        iota = lax.iota(jnp.int32, 16)

        for j in range(nchunk):
            pltpu.async_copy(
                tab3_hbm.at[tidx_v.at[j]], blk_v, sem_c).wait()

            def extract_step(g, carry, j=j):
                jv = 16 * g + iota
                rv = idx_v[j, pl.ds(16 * g, 16)]
                iv = rv & 127
                for ci in range(4):
                    v = plsc.load_gather(blk_v, [jv, iota * 0 + ci, iv])
                    gbufs[ci][pl.ds(j * _IDX_CHUNK + 16 * g, 16)] = (
                        v * jnp.float32(scale[ci]))
                return carry

            lax.fori_loop(0, _IDX_CHUNK // 16, extract_step, 0)

        for c in dcopies:
            c.wait()
        dsts = (fx_hbm, fy_hbm, x0_hbm, y0_hbm, dout_hbm)
        allbufs = (g0, g1, g2, g3, g4)
        for ci, dst_hbm in enumerate(dsts):
            pltpu.sync_copy(allbufs[ci], dst_hbm.at[pl.ds(wid * bpw, bpw)])

    return k


def kernel(input, video_idx, intrinsics_factors, distortion):
    H, W = input.shape[1], input.shape[2]
    fs = 0.5 * (H + W)
    V = intrinsics_factors.shape[0]
    B = video_idx.shape[0]
    k = _build(V, B, float(fs), float(W), float(H))
    idx32 = video_idx.astype(jnp.int32)
    nt = (V + _TILE - 1) // _TILE
    padded = jnp.pad(intrinsics_factors, ((0, nt * _TILE - V), (0, 0)))
    view3 = padded.reshape(nt, _TILE, 4).transpose(0, 2, 1)
    fx, fy, x0, y0, dist = k(
        idx32.reshape(-1, _IDX_CHUNK),
        view3,
        distortion,
    )
    zero = jnp.zeros_like(fx)
    one = jnp.ones_like(fx)
    row0 = jnp.stack([fx, zero, x0], axis=-1)
    row1 = jnp.stack([zero, fy, y0], axis=-1)
    row2 = jnp.stack([zero, zero, one], axis=-1)
    int_mat = jnp.stack([row0, row1, row2], axis=1)
    return int_mat, dist.reshape(B, 1, 1)

# --- scband reference (transcript-rebuilt; emitter-appended) ---
"""Pipeline reference for scband-intrinsics-net-7000796692495 (READ-ONLY COPY).

The authoritative reference and input builder live on the scoring server;
editing this copy changes nothing except your own understanding.
"""

import jax, jax.numpy as jnp
import numpy as np

V = 1000000
B = 16384

def setup_inputs(seed: int = 0) -> dict:
    key = jax.random.key(seed)
    k1, k2 = jax.random.split(key)
    inp = jax.random.normal(k1, (4, 384, 512, 3), dtype=jnp.float32)
    video_idx = jax.random.randint(k2, (B,), 0, V)
    intrinsics_factors = jnp.tile(jnp.array([[1.0, 1.0, 0.5, 0.5]], dtype=jnp.float32), (V, 1))
    distortion = jnp.zeros((V,), dtype=jnp.float32)
    return {"input": inp, "video_idx": video_idx, "intrinsics_factors": intrinsics_factors, "distortion": distortion}

def reference(input, video_idx, intrinsics_factors, distortion):
    # data_format == 'channels_last' -> spatial dims are axes 1, 2
    height = jnp.float32(input.shape[1])
    width = jnp.float32(input.shape[2])
    # gather per-video intrinsics coefficients from the learnable table
    coeffs = jnp.take(intrinsics_factors, video_idx, axis=0)  # [B, 4]
    fx = coeffs[:, 0] * 0.5 * (height + width)
    fy = coeffs[:, 1] * 0.5 * (height + width)
    x0 = coeffs[:, 2] * width
    y0 = coeffs[:, 3] * height
    zero = jnp.zeros_like(fx)
    one = jnp.ones_like(fx)
    row0 = jnp.stack([fx, zero, x0], axis=-1)
    row1 = jnp.stack([zero, fy, y0], axis=-1)
    row2 = jnp.stack([zero, zero, one], axis=-1)
    int_mat = jnp.stack([row0, row1, row2], axis=1)  # [B, 3, 3]
    dist = jnp.take(distortion, video_idx, axis=0)
    dist = dist[:, None, None]  # [B, 1, 1]
    return (int_mat, dist)

if __name__ == "__main__":
    import jax
    _d = setup_inputs()
    print(jax.jit(kernel)(*tuple(_d.values())))

</pallas_src>

<mosaic_0001>
#map = affine_map<(d0, d1) -> (0, 0)>
#map1 = affine_map<(d0, d1) -> (0, 0, 0)>
#map2 = affine_map<(d0, d1) -> (0)>
module attributes {stable_mosaic.version = 14 : i64} {
  func.func @k(%arg0: i32, %arg1: i32, %arg2: memref<128x128xi32, #tpu.memory_space<hbm>>, %arg3: memref<7813x4x128xf32, #tpu.memory_space<hbm>>, %arg4: memref<1000000xf32, #tpu.memory_space<hbm>>, %arg5: memref<16384xf32, #tpu.memory_space<hbm>>, %arg6: memref<16384xf32, #tpu.memory_space<hbm>>, %arg7: memref<16384xf32, #tpu.memory_space<hbm>>, %arg8: memref<16384xf32, #tpu.memory_space<hbm>>, %arg9: memref<16384xf32, #tpu.memory_space<hbm>>, %arg10: memref<4x128xi32, #tpu.memory_space<vmem>>, %arg11: memref<4x128xi32, #tpu.memory_space<vmem>>, %arg12: memref<128x4x128xf32, #tpu.memory_space<vmem>>, %arg13: memref<512xf32, #tpu.memory_space<vmem>>, %arg14: memref<512xf32, #tpu.memory_space<vmem>>, %arg15: memref<512xf32, #tpu.memory_space<vmem>>, %arg16: memref<512xf32, #tpu.memory_space<vmem>>, %arg17: memref<512xf32, #tpu.memory_space<vmem>>, %arg18: memref<!tpu.dma_semaphore, #tpu.memory_space<semaphore_mem>>, %arg19: memref<!tpu.dma_semaphore, #tpu.memory_space<semaphore_mem>>) attributes {dimension_semantics = [#tpu.dimension_semantics<core_parallel>, #tpu.dimension_semantics<subcore_parallel>], iteration_bounds = array<i64: 2, 16>, scalar_prefetch = 0 : i64, scratch_operands = 10 : i64, tpu.core_type = #tpu.core_type<sc_vector_subcore>, window_params = [{transform_indices = #map}, {transform_indices = #map1}, {transform_indices = #map2}, {transform_indices = #map2}, {transform_indices = #map2}, {transform_indices = #map2}, {transform_indices = #map2}, {transform_indices = #map2}]} {
    %mul3A = arith.constant 2 : i32
    %mul3A_0 = arith.muli %arg1, %mul3A : i32
    %add3A = arith.addi %mul3A_0, %arg0 : i32
    %mul3A_1 = arith.constant 4 : i32
    %mul3A_2 = arith.muli %add3A, %mul3A_1 : i32
    "tpu.region"() ({
      %run_scoped3A = tpu.sem_alloc : memref<!tpu.dma_semaphore, #tpu.memory_space<semaphore_mem>>
      %dma_start3A_168 = arith.constant 0 : i32
      %dma_start3A_169 = tpu.memref_slice %arg2[%mul3A_2, %dma_start3A_168] : memref<128x128xi32, #tpu.memory_space<hbm>> -> memref<4x128xi32, #tpu.memory_space<hbm>>
      %dma_start3A_170 = arith.constant 0 : i32
      %dma_start3A_171 = tpu.memref_slice %arg2[%mul3A_2, %dma_start3A_170] : memref<128x128xi32, #tpu.memory_space<hbm>> -> memref<4x128xi32, #tpu.memory_space<hbm>>
      tpu.enqueue_dma source(%dma_start3A_171 : memref<4x128xi32, #tpu.memory_space<hbm>>) target(%arg10 : memref<4x128xi32, #tpu.memory_space<vmem>>) target_semaphore(%run_scoped3A : memref<!tpu.dma_semaphore, #tpu.memory_space<semaphore_mem>>)
      %dma_wait3A_172 = arith.constant 0 : i32
      %dma_wait3A_173 = tpu.memref_slice %arg2[%mul3A_2, %dma_wait3A_172] : memref<128x128xi32, #tpu.memory_space<hbm>> -> memref<4x128xi32, #tpu.memory_space<hbm>>
      %dma_wait3A_174 = arith.constant 0 : i32
      %dma_wait3A_175 = tpu.memref_slice %arg2[%mul3A_2, %dma_wait3A_174] : memref<128x128xi32, #tpu.memory_space<hbm>> -> memref<4x128xi32, #tpu.memory_space<hbm>>
      tpu.wait_dma2 semaphore(%run_scoped3A : memref<!tpu.dma_semaphore, #tpu.memory_space<semaphore_mem>>) src(%dma_wait3A_175 : memref<4x128xi32, #tpu.memory_space<hbm>>) dst(%arg10 : memref<4x128xi32, #tpu.memory_space<vmem>>)
      tpu.yield
    }) : () -> ()
    %dma_start3A = arith.constant 0 : i32
    %dma_start3A_3 = arith.constant 0 : i32
    %dma_start3A_4 = tpu.memref_slice %arg17[%dma_start3A_3] : memref<512xf32, #tpu.memory_space<vmem>> -> memref<128xf32, #tpu.memory_space<vmem>>
    %dma_start3A_5 = arith.constant 0 : i32
    %dma_start3A_6 = tpu.memref_slice %arg10[%dma_start3A, %dma_start3A_5] : memref<4x128xi32, #tpu.memory_space<vmem>> -> memref<1x128xi32, #tpu.memory_space<vmem>>
    %dma_start3A_7 = tpu.memref_squeeze %dma_start3A_6 : memref<1x128xi32, #tpu.memory_space<vmem>> -> memref<128xi32, #tpu.memory_space<vmem>>
    %dma_start3A_8 = arith.constant 0 : i32
    %dma_start3A_9 = tpu.memref_slice %arg4[%dma_start3A_8] : memref<1000000xf32, #tpu.memory_space<hbm>> -> memref<1000000xf32, #tpu.memory_space<hbm>>
    tpu.enqueue_indirect_dma source(%dma_start3A_9 : memref<1000000xf32, #tpu.memory_space<hbm>>) target(%dma_start3A_4 : memref<128xf32, #tpu.memory_space<vmem>>) offsets(%dma_start3A_7 : memref<128xi32, #tpu.memory_space<vmem>>) semaphore(%arg19 : memref<!tpu.dma_semaphore, #tpu.memory_space<semaphore_mem>>)
    %dma_start3A_10 = arith.constant 1 : i32
    %dma_start3A_11 = arith.constant 128 : i32
    %dma_start3A_12 = tpu.memref_slice %arg17[%dma_start3A_11] : memref<512xf32, #tpu.memory_space<vmem>> -> memref<128xf32, #tpu.memory_space<vmem>>
    %dma_start3A_13 = arith.constant 0 : i32
    %dma_start3A_14 = tpu.memref_slice %arg10[%dma_start3A_10, %dma_start3A_13] : memref<4x128xi32, #tpu.memory_space<vmem>> -> memref<1x128xi32, #tpu.memory_space<vmem>>
    %dma_start3A_15 = tpu.memref_squeeze %dma_start3A_14 : memref<1x128xi32, #tpu.memory_space<vmem>> -> memref<128xi32, #tpu.memory_space<vmem>>
    %dma_start3A_16 = arith.constant 0 : i32
    %dma_start3A_17 = tpu.memref_slice %arg4[%dma_start3A_16] : memref<1000000xf32, #tpu.memory_space<hbm>> -> memref<1000000xf32, #tpu.memory_space<hbm>>
    tpu.enqueue_indirect_dma source(%dma_start3A_17 : memref<1000000xf32, #tpu.memory_space<hbm>>) target(%dma_start3A_12 : memref<128xf32, #tpu.memory_space<vmem>>) offsets(%dma_start3A_15 : memref<128xi32, #tpu.memory_space<vmem>>) semaphore(%arg19 : memref<!tpu.dma_semaphore, #tpu.memory_space<semaphore_mem>>)
    %dma_start3A_18 = arith.constant 2 : i32
    %dma_start3A_19 = arith.constant 256 : i32
    %dma_start3A_20 = tpu.memref_slice %arg17[%dma_start3A_19] : memref<512xf32, #tpu.memory_space<vmem>> -> memref<128xf32, #tpu.memory_space<vmem>>
    %dma_start3A_21 = arith.constant 0 : i32
    %dma_start3A_22 = tpu.memref_slice %arg10[%dma_start3A_18, %dma_start3A_21] : memref<4x128xi32, #tpu.memory_space<vmem>> -> memref<1x128xi32, #tpu.memory_space<vmem>>
    %dma_start3A_23 = tpu.memref_squeeze %dma_start3A_22 : memref<1x128xi32, #tpu.memory_space<vmem>> -> memref<128xi32, #tpu.memory_space<vmem>>
    %dma_start3A_24 = arith.constant 0 : i32
    %dma_start3A_25 = tpu.memref_slice %arg4[%dma_start3A_24] : memref<1000000xf32, #tpu.memory_space<hbm>> -> memref<1000000xf32, #tpu.memory_space<hbm>>
    tpu.enqueue_indirect_dma source(%dma_start3A_25 : memref<1000000xf32, #tpu.memory_space<hbm>>) target(%dma_start3A_20 : memref<128xf32, #tpu.memory_space<vmem>>) offsets(%dma_start3A_23 : memref<128xi32, #tpu.memory_space<vmem>>) semaphore(%arg19 : memref<!tpu.dma_semaphore, #tpu.memory_space<semaphore_mem>>)
    %dma_start3A_26 = arith.constant 3 : i32
    %dma_start3A_27 = arith.constant 384 : i32
    %dma_start3A_28 = tpu.memref_slice %arg17[%dma_start3A_27] : memref<512xf32, #tpu.memory_space<vmem>> -> memref<128xf32, #tpu.memory_space<vmem>>
    %dma_start3A_29 = arith.constant 0 : i32
    %dma_start3A_30 = tpu.memref_slice %arg10[%dma_start3A_26, %dma_start3A_29] : memref<4x128xi32, #tpu.memory_space<vmem>> -> memref<1x128xi32, #tpu.memory_space<vmem>>
    %dma_start3A_31 = tpu.memref_squeeze %dma_start3A_30 : memref<1x128xi32, #tpu.memory_space<vmem>> -> memref<128xi32, #tpu.memory_space<vmem>>
    %dma_start3A_32 = arith.constant 0 : i32
    %dma_start3A_33 = tpu.memref_slice %arg4[%dma_start3A_32] : memref<1000000xf32, #tpu.memory_space<hbm>> -> memref<1000000xf32, #tpu.memory_space<hbm>>
    tpu.enqueue_indirect_dma source(%dma_start3A_33 : memref<1000000xf32, #tpu.memory_space<hbm>>) target(%dma_start3A_28 : memref<128xf32, #tpu.memory_space<vmem>>) offsets(%dma_start3A_31 : memref<128xi32, #tpu.memory_space<vmem>>) semaphore(%arg19 : memref<!tpu.dma_semaphore, #tpu.memory_space<semaphore_mem>>)
    %scan3A = arith.constant 0 : i32
    %scan3A_34 = arith.constant 0 : i32
    %scan3A_35 = arith.constant 32 : i32
    %scan3A_36 = arith.addi %scan3A_34, %scan3A_35 : i32
    %scan3A_37 = arith.constant 1 : i32
    scf.for %scan3A_168 = %scan3A_34 to %scan3A_36 step %scan3A_37  : i32 {
      %jit3A = arith.constant 8 : i32
      %div3A = arith.divsi %scan3A_168, %jit3A : i32
      %sign3A = arith.constant 0 : i32
      %sign3A_169 = arith.cmpi sgt, %scan3A_168, %sign3A : i32
      %sign3A_170 = arith.extui %sign3A_169 : i1 to i32
      %sign3A_171 = arith.constant 0 : i32
      %sign3A_172 = arith.cmpi slt, %scan3A_168, %sign3A_171 : i32
      %sign3A_173 = arith.extui %sign3A_172 : i1 to i32
      %sign3A_174 = arith.subi %sign3A_170, %sign3A_173 : i32
      %sign3A_175 = arith.constant 0 : i32
      %sign3A_176 = arith.cmpi sgt, %jit3A, %sign3A_175 : i32
      %sign3A_177 = arith.extui %sign3A_176 : i1 to i32
      %sign3A_178 = arith.constant 0 : i32
      %sign3A_179 = arith.cmpi slt, %jit3A, %sign3A_178 : i32
      %sign3A_180 = arith.extui %sign3A_179 : i1 to i32
      %sign3A_181 = arith.subi %sign3A_177, %sign3A_180 : i32
      %ne3A = arith.cmpi ne, %sign3A_174, %sign3A_181 : i32
      %rem3A = arith.remsi %scan3A_168, %jit3A : i32
      %ne3A_182 = arith.constant 0 : i32
      %ne3A_183 = arith.cmpi ne, %rem3A, %ne3A_182 : i32
      %and3A = arith.andi %ne3A, %ne3A_183 : i1
      %sub3A = arith.constant 1 : i32
      %sub3A_184 = arith.subi %div3A, %sub3A : i32
      %select_n3A = arith.select %and3A, %sub3A_184, %div3A : i32
      %jit3A_185 = arith.constant 8 : i32
      %eq3A = arith.constant 0 : i32
      %eq3A_186 = arith.cmpi eq, %jit3A_185, %eq3A : i32
      %jit3A_187 = arith.constant 1 : i32
      %select_n3A_188 = arith.select %eq3A_186, %jit3A_187, %jit3A_185 : i32
      %rem3A_189 = arith.remsi %scan3A_168, %select_n3A_188 : i32
      %ne3A_190 = arith.constant 0 : i32
      %ne3A_191 = arith.cmpi ne, %rem3A_189, %ne3A_190 : i32
      %lt3A = arith.constant 0 : i32
      %lt3A_192 = arith.cmpi slt, %rem3A_189, %lt3A : i32
      %lt3A_193 = arith.constant 0 : i32
      %lt3A_194 = arith.cmpi slt, %select_n3A_188, %lt3A_193 : i32
      %ne3A_195 = arith.xori %lt3A_192, %lt3A_194 : i1
      %and3A_196 = arith.andi %ne3A_195, %ne3A_191 : i1
      %add3A_197 = arith.addi %rem3A_189, %select_n3A_188 : i32
      %select_n3A_198 = arith.select %and3A_196, %add3A_197, %rem3A_189 : i32
      %mul3A_199 = arith.constant 16 : i32
      %mul3A_200 = arith.muli %mul3A_199, %select_n3A_198 : i32
      %get3A = arith.index_cast %select_n3A : i32 to index
      %get3A_201 = arith.index_cast %mul3A_200 : i32 to index
      %get3A_202 = tpu.vector_load %arg10[%get3A, %get3A_201] {strides = array<i32>} : memref<4x128xi32, #tpu.memory_space<vmem>>, vector<16xi32>,
      %shift_right_logical3A = arith.constant 7 : i32
      %shift_right_logical3A_203 = vector.broadcast %shift_right_logical3A : i32 to vector<16xi32>
      %shift_right_logical3A_204 = arith.shrui %get3A_202, %shift_right_logical3A_203 : vector<16xi32>
      %swap3A = arith.index_cast %select_n3A : i32 to index
      %swap3A_205 = arith.index_cast %mul3A_200 : i32 to index
      %swap3A_206 = tpu.vector_load %arg11[%swap3A, %swap3A_205] {strides = array<i32>} : memref<4x128xi32, #tpu.memory_space<vmem>>, vector<16xi32>,
      tpu.vector_store %arg11[%swap3A, %swap3A_205], %shift_right_logical3A_204 {strides = array<i32>} : memref<4x128xi32, #tpu.memory_space<vmem>>, vector<16xi32>,
    }
    %scan3A_38 = arith.constant 32 : i32
    %iota3A = tpu.iota {dimensions = array<i32: 0>} : vector<16xi32>
    %dma_start3A_39 = arith.constant 0 : i32
    %dma_start3A_40 = arith.constant 0 : i32
    %dma_start3A_41 = tpu.memref_slice %arg11[%dma_start3A_39, %dma_start3A_40] : memref<4x128xi32, #tpu.memory_space<vmem>> -> memref<1x128xi32, #tpu.memory_space<vmem>>
    %dma_start3A_42 = tpu.memref_squeeze %dma_start3A_41 : memref<1x128xi32, #tpu.memory_space<vmem>> -> memref<128xi32, #tpu.memory_space<vmem>>
    %dma_start3A_43 = arith.constant 0 : i32
    %dma_start3A_44 = arith.constant 0 : i32
    %dma_start3A_45 = arith.constant 0 : i32
    %dma_start3A_46 = tpu.memref_slice %arg3[%dma_start3A_43, %dma_start3A_44, %dma_start3A_45] : memref<7813x4x128xf32, #tpu.memory_space<hbm>> -> memref<7813x4x128xf32, #tpu.memory_space<hbm>>
    tpu.enqueue_indirect_dma source(%dma_start3A_46 : memref<7813x4x128xf32, #tpu.memory_space<hbm>>) target(%arg12 : memref<128x4x128xf32, #tpu.memory_space<vmem>>) offsets(%dma_start3A_42 : memref<128xi32, #tpu.memory_space<vmem>>) semaphore(%arg18 : memref<!tpu.dma_semaphore, #tpu.memory_space<semaphore_mem>>)
    %dma_wait3A = arith.constant 0 : i32
    %dma_wait3A_47 = arith.constant 0 : i32
    %dma_wait3A_48 = tpu.memref_slice %arg11[%dma_wait3A, %dma_wait3A_47] : memref<4x128xi32, #tpu.memory_space<vmem>> -> memref<1x128xi32, #tpu.memory_space<vmem>>
    %dma_wait3A_49 = tpu.memref_squeeze %dma_wait3A_48 : memref<1x128xi32, #tpu.memory_space<vmem>> -> memref<128xi32, #tpu.memory_space<vmem>>
    %dma_wait3A_50 = arith.constant 0 : i32
    %dma_wait3A_51 = arith.constant 0 : i32
    %dma_wait3A_52 = arith.constant 0 : i32
    %dma_wait3A_53 = tpu.memref_slice %arg3[%dma_wait3A_50, %dma_wait3A_51, %dma_wait3A_52] : memref<7813x4x128xf32, #tpu.memory_space<hbm>> -> memref<7813x4x128xf32, #tpu.memory_space<hbm>>
    tpu.wait_indirect_dma semaphore(%arg18 : memref<!tpu.dma_semaphore, #tpu.memory_space<semaphore_mem>>) src(%dma_wait3A_53 : memref<7813x4x128xf32, #tpu.memory_space<hbm>>) dst(%arg12 : memref<128x4x128xf32, #tpu.memory_space<vmem>>)
    %scan3A_54 = arith.constant 0 : i32
    %scan3A_55 = arith.constant 0 : i32
    %scan3A_56 = arith.constant 8 : i32
    %scan3A_57 = arith.addi %scan3A_55, %scan3A_56 : i32
    %scan3A_58 = arith.constant 1 : i32
    scf.for %scan3A_168 = %scan3A_55 to %scan3A_57 step %scan3A_58  : i32 {
      %mul3A_169 = arith.constant 16 : i32
      %mul3A_170 = arith.muli %mul3A_169, %scan3A_168 : i32
      %add3A_171 = vector.broadcast %mul3A_170 : i32 to vector<16xi32>
      %add3A_172 = arith.addi %add3A_171, %iota3A : vector<16xi32>
      %mul3A_173 = arith.constant 16 : i32
      %mul3A_174 = arith.muli %mul3A_173, %scan3A_168 : i32
      %get3A = arith.constant 0 : i32
      %get3A_175 = arith.index_cast %get3A : i32 to index
      %get3A_176 = arith.index_cast %mul3A_174 : i32 to index
      %get3A_177 = tpu.vector_load %arg10[%get3A_175, %get3A_176] {strides = array<i32>} : memref<4x128xi32, #tpu.memory_space<vmem>>, vector<16xi32>,
      %and3A = arith.constant 127 : i32
      %and3A_178 = vector.broadcast %and3A : i32 to vector<16xi32>
      %and3A_179 = arith.andi %get3A_177, %and3A_178 : vector<16xi32>
      %mul3A_180 = arith.constant 0 : i32
      %mul3A_181 = vector.broadcast %mul3A_180 : i32 to vector<16xi32>
      %mul3A_182 = arith.muli %iota3A, %mul3A_181 : vector<16xi32>
      %add3A_183 = arith.constant 0 : i32
      %add3A_184 = vector.broadcast %add3A_183 : i32 to vector<16xi32>
      %add3A_185 = arith.addi %mul3A_182, %add3A_184 : vector<16xi32>
      %gather3A = tpu.vector_load_idx %arg12[%add3A_172, %add3A_185, %and3A_179] : memref<128x4x128xf32, #tpu.memory_space<vmem>>[vector<16xi32>, vector<16xi32>, vector<16xi32>], vector<16xf32>,
      %mul3A_186 = arith.constant 4.480000e+02 : f32
      %mul3A_187 = vector.broadcast %mul3A_186 : f32 to vector<16xf32>
      %mul3A_188 = arith.mulf %gather3A, %mul3A_187 : vector<16xf32>
      %mul3A_189 = arith.constant 16 : i32
      %mul3A_190 = arith.muli %mul3A_189, %scan3A_168 : i32
      %add3A_191 = arith.constant 0 : i32
      %add3A_192 = arith.addi %add3A_191, %mul3A_190 : i32
      %swap3A = arith.index_cast %add3A_192 : i32 to index
      %swap3A_193 = tpu.vector_load %arg13[%swap3A] {strides = array<i32>} : memref<512xf32, #tpu.memory_space<vmem>>, vector<16xf32>,
      tpu.vector_store %arg13[%swap3A], %mul3A_188 {strides = array<i32>} : memref<512xf32, #tpu.memory_space<vmem>>, vector<16xf32>,
      %mul3A_194 = arith.constant 0 : i32
      %mul3A_195 = vector.broadcast %mul3A_194 : i32 to vector<16xi32>
      %mul3A_196 = arith.muli %iota3A, %mul3A_195 : vector<16xi32>
      %add3A_197 = arith.constant 1 : i32
      %add3A_198 = vector.broadcast %add3A_197 : i32 to vector<16xi32>
      %add3A_199 = arith.addi %mul3A_196, %add3A_198 : vector<16xi32>
      %gather3A_200 = tpu.vector_load_idx %arg12[%add3A_172, %add3A_199, %and3A_179] : memref<128x4x128xf32, #tpu.memory_space<vmem>>[vector<16xi32>, vector<16xi32>, vector<16xi32>], vector<16xf32>,
      %mul3A_201 = arith.constant 4.480000e+02 : f32
      %mul3A_202 = vector.broadcast %mul3A_201 : f32 to vector<16xf32>
      %mul3A_203 = arith.mulf %gather3A_200, %mul3A_202 : vector<16xf32>
      %mul3A_204 = arith.constant 16 : i32
      %mul3A_205 = arith.muli %mul3A_204, %scan3A_168 : i32
      %add3A_206 = arith.constant 0 : i32
      %add3A_207 = arith.addi %add3A_206, %mul3A_205 : i32
      %swap3A_208 = arith.index_cast %add3A_207 : i32 to index
      %swap3A_209 = tpu.vector_load %arg14[%swap3A_208] {strides = array<i32>} : memref<512xf32, #tpu.memory_space<vmem>>, vector<16xf32>,
      tpu.vector_store %arg14[%swap3A_208], %mul3A_203 {strides = array<i32>} : memref<512xf32, #tpu.memory_space<vmem>>, vector<16xf32>,
      %mul3A_210 = arith.constant 0 : i32
      %mul3A_211 = vector.broadcast %mul3A_210 : i32 to vector<16xi32>
      %mul3A_212 = arith.muli %iota3A, %mul3A_211 : vector<16xi32>
      %add3A_213 = arith.constant 2 : i32
      %add3A_214 = vector.broadcast %add3A_213 : i32 to vector<16xi32>
      %add3A_215 = arith.addi %mul3A_212, %add3A_214 : vector<16xi32>
      %gather3A_216 = tpu.vector_load_idx %arg12[%add3A_172, %add3A_215, %and3A_179] : memref<128x4x128xf32, #tpu.memory_space<vmem>>[vector<16xi32>, vector<16xi32>, vector<16xi32>], vector<16xf32>,
      %mul3A_217 = arith.constant 5.120000e+02 : f32
      %mul3A_218 = vector.broadcast %mul3A_217 : f32 to vector<16xf32>
      %mul3A_219 = arith.mulf %gather3A_216, %mul3A_218 : vector<16xf32>
      %mul3A_220 = arith.constant 16 : i32
      %mul3A_221 = arith.muli %mul3A_220, %scan3A_168 : i32
      %add3A_222 = arith.constant 0 : i32
      %add3A_223 = arith.addi %add3A_222, %mul3A_221 : i32
      %swap3A_224 = arith.index_cast %add3A_223 : i32 to index
      %swap3A_225 = tpu.vector_load %arg15[%swap3A_224] {strides = array<i32>} : memref<512xf32, #tpu.memory_space<vmem>>, vector<16xf32>,
      tpu.vector_store %arg15[%swap3A_224], %mul3A_219 {strides = array<i32>} : memref<512xf32, #tpu.memory_space<vmem>>, vector<16xf32>,
      %mul3A_226 = arith.constant 0 : i32
      %mul3A_227 = vector.broadcast %mul3A_226 : i32 to vector<16xi32>
      %mul3A_228 = arith.muli %iota3A, %mul3A_227 : vector<16xi32>
      %add3A_229 = arith.constant 3 : i32
      %add3A_230 = vector.broadcast %add3A_229 : i32 to vector<16xi32>
      %add3A_231 = arith.addi %mul3A_228, %add3A_230 : vector<16xi32>
      %gather3A_232 = tpu.vector_load_idx %arg12[%add3A_172, %add3A_231, %and3A_179] : memref<128x4x128xf32, #tpu.memory_space<vmem>>[vector<16xi32>, vector<16xi32>, vector<16xi32>], vector<16xf32>,
      %mul3A_233 = arith.constant 3.840000e+02 : f32
      %mul3A_234 = vector.broadcast %mul3A_233 : f32 to vector<16xf32>
      %mul3A_235 = arith.mulf %gather3A_232, %mul3A_234 : vector<16xf32>
      %mul3A_236 = arith.constant 16 : i32
      %mul3A_237 = arith.muli %mul3A_236, %scan3A_168 : i32
      %add3A_238 = arith.constant 0 : i32
      %add3A_239 = arith.addi %add3A_238, %mul3A_237 : i32
      %swap3A_240 = arith.index_cast %add3A_239 : i32 to index
      %swap3A_241 = tpu.vector_load %arg16[%swap3A_240] {strides = array<i32>} : memref<512xf32, #tpu.memory_space<vmem>>, vector<16xf32>,
      tpu.vector_store %arg16[%swap3A_240], %mul3A_235 {strides = array<i32>} : memref<512xf32, #tpu.memory_space<vmem>>, vector<16xf32>,
    }
    %scan3A_59 = arith.constant 8 : i32
    %dma_start3A_60 = arith.constant 1 : i32
    %dma_start3A_61 = arith.constant 0 : i32
    %dma_start3A_62 = tpu.memref_slice %arg11[%dma_start3A_60, %dma_start3A_61] : memref<4x128xi32, #tpu.memory_space<vmem>> -> memref<1x128xi32, #tpu.memory_space<vmem>>
    %dma_start3A_63 = tpu.memref_squeeze %dma_start3A_62 : memref<1x128xi32, #tpu.memory_space<vmem>> -> memref<128xi32, #tpu.memory_space<vmem>>
    %dma_start3A_64 = arith.constant 0 : i32
    %dma_start3A_65 = arith.constant 0 : i32
    %dma_start3A_66 = arith.constant 0 : i32
    %dma_start3A_67 = tpu.memref_slice %arg3[%dma_start3A_64, %dma_start3A_65, %dma_start3A_66] : memref<7813x4x128xf32, #tpu.memory_space<hbm>> -> memref<7813x4x128xf32, #tpu.memory_space<hbm>>
    tpu.enqueue_indirect_dma source(%dma_start3A_67 : memref<7813x4x128xf32, #tpu.memory_space<hbm>>) target(%arg12 : memref<128x4x128xf32, #tpu.memory_space<vmem>>) offsets(%dma_start3A_63 : memref<128xi32, #tpu.memory_space<vmem>>) semaphore(%arg18 : memref<!tpu.dma_semaphore, #tpu.memory_space<semaphore_mem>>)
    %dma_wait3A_68 = arith.constant 1 : i32
    %dma_wait3A_69 = arith.constant 0 : i32
    %dma_wait3A_70 = tpu.memref_slice %arg11[%dma_wait3A_68, %dma_wait3A_69] : memref<4x128xi32, #tpu.memory_space<vmem>> -> memref<1x128xi32, #tpu.memory_space<vmem>>
    %dma_wait3A_71 = tpu.memref_squeeze %dma_wait3A_70 : memref<1x128xi32, #tpu.memory_space<vmem>> -> memref<128xi32, #tpu.memory_space<vmem>>
    %dma_wait3A_72 = arith.constant 0 : i32
    %dma_wait3A_73 = arith.constant 0 : i32
    %dma_wait3A_74 = arith.constant 0 : i32
    %dma_wait3A_75 = tpu.memref_slice %arg3[%dma_wait3A_72, %dma_wait3A_73, %dma_wait3A_74] : memref<7813x4x128xf32, #tpu.memory_space<hbm>> -> memref<7813x4x128xf32, #tpu.memory_space<hbm>>
    tpu.wait_indirect_dma semaphore(%arg18 : memref<!tpu.dma_semaphore, #tpu.memory_space<semaphore_mem>>) src(%dma_wait3A_75 : memref<7813x4x128xf32, #tpu.memory_space<hbm>>) dst(%arg12 : memref<128x4x128xf32, #tpu.memory_space<vmem>>)
    %scan3A_76 = arith.constant 0 : i32
    %scan3A_77 = arith.constant 0 : i32
    %scan3A_78 = arith.constant 8 : i32
    %scan3A_79 = arith.addi %scan3A_77, %scan3A_78 : i32
    %scan3A_80 = arith.constant 1 : i32
    scf.for %scan3A_168 = %scan3A_77 to %scan3A_79 step %scan3A_80  : i32 {
      %mul3A_169 = arith.constant 16 : i32
      %mul3A_170 = arith.muli %mul3A_169, %scan3A_168 : i32
      %add3A_171 = vector.broadcast %mul3A_170 : i32 to vector<16xi32>
      %add3A_172 = arith.addi %add3A_171, %iota3A : vector<16xi32>
      %mul3A_173 = arith.constant 16 : i32
      %mul3A_174 = arith.muli %mul3A_173, %scan3A_168 : i32
      %get3A = arith.constant 1 : i32
      %get3A_175 = arith.index_cast %get3A : i32 to index
      %get3A_176 = arith.index_cast %mul3A_174 : i32 to index
      %get3A_177 = tpu.vector_load %arg10[%get3A_175, %get3A_176] {strides = array<i32>} : memref<4x128xi32, #tpu.memory_space<vmem>>, vector<16xi32>,
      %and3A = arith.constant 127 : i32
      %and3A_178 = vector.broadcast %and3A : i32 to vector<16xi32>
      %and3A_179 = arith.andi %get3A_177, %and3A_178 : vector<16xi32>
      %mul3A_180 = arith.constant 0 : i32
      %mul3A_181 = vector.broadcast %mul3A_180 : i32 to vector<16xi32>
      %mul3A_182 = arith.muli %iota3A, %mul3A_181 : vector<16xi32>
      %add3A_183 = arith.constant 0 : i32
      %add3A_184 = vector.broadcast %add3A_183 : i32 to vector<16xi32>
      %add3A_185 = arith.addi %mul3A_182, %add3A_184 : vector<16xi32>
      %gather3A = tpu.vector_load_idx %arg12[%add3A_172, %add3A_185, %and3A_179] : memref<128x4x128xf32, #tpu.memory_space<vmem>>[vector<16xi32>, vector<16xi32>, vector<16xi32>], vector<16xf32>,
      %mul3A_186 = arith.constant 4.480000e+02 : f32
      %mul3A_187 = vector.broadcast %mul3A_186 : f32 to vector<16xf32>
      %mul3A_188 = arith.mulf %gather3A, %mul3A_187 : vector<16xf32>
      %mul3A_189 = arith.constant 16 : i32
      %mul3A_190 = arith.muli %mul3A_189, %scan3A_168 : i32
      %add3A_191 = arith.constant 128 : i32
      %add3A_192 = arith.addi %add3A_191, %mul3A_190 : i32
      %swap3A = arith.index_cast %add3A_192 : i32 to index
      %swap3A_193 = tpu.vector_load %arg13[%swap3A] {strides = array<i32>} : memref<512xf32, #tpu.memory_space<vmem>>, vector<16xf32>,
      tpu.vector_store %arg13[%swap3A], %mul3A_188 {strides = array<i32>} : memref<512xf32, #tpu.memory_space<vmem>>, vector<16xf32>,
      %mul3A_194 = arith.constant 0 : i32
      %mul3A_195 = vector.broadcast %mul3A_194 : i32 to vector<16xi32>
      %mul3A_196 = arith.muli %iota3A, %mul3A_195 : vector<16xi32>
      %add3A_197 = arith.constant 1 : i32
      %add3A_198 = vector.broadcast %add3A_197 : i32 to vector<16xi32>
      %add3A_199 = arith.addi %mul3A_196, %add3A_198 : vector<16xi32>
      %gather3A_200 = tpu.vector_load_idx %arg12[%add3A_172, %add3A_199, %and3A_179] : memref<128x4x128xf32, #tpu.memory_space<vmem>>[vector<16xi32>, vector<16xi32>, vector<16xi32>], vector<16xf32>,
      %mul3A_201 = arith.constant 4.480000e+02 : f32
      %mul3A_202 = vector.broadcast %mul3A_201 : f32 to vector<16xf32>
      %mul3A_203 = arith.mulf %gather3A_200, %mul3A_202 : vector<16xf32>
      %mul3A_204 = arith.constant 16 : i32
      %mul3A_205 = arith.muli %mul3A_204, %scan3A_168 : i32
      %add3A_206 = arith.constant 128 : i32
      %add3A_207 = arith.addi %add3A_206, %mul3A_205 : i32
      %swap3A_208 = arith.index_cast %add3A_207 : i32 to index
      %swap3A_209 = tpu.vector_load %arg14[%swap3A_208] {strides = array<i32>} : memref<512xf32, #tpu.memory_space<vmem>>, vector<16xf32>,
      tpu.vector_store %arg14[%swap3A_208], %mul3A_203 {strides = array<i32>} : memref<512xf32, #tpu.memory_space<vmem>>, vector<16xf32>,
      %mul3A_210 = arith.constant 0 : i32
      %mul3A_211 = vector.broadcast %mul3A_210 : i32 to vector<16xi32>
      %mul3A_212 = arith.muli %iota3A, %mul3A_211 : vector<16xi32>
      %add3A_213 = arith.constant 2 : i32
      %add3A_214 = vector.broadcast %add3A_213 : i32 to vector<16xi32>
      %add3A_215 = arith.addi %mul3A_212, %add3A_214 : vector<16xi32>
      %gather3A_216 = tpu.vector_load_idx %arg12[%add3A_172, %add3A_215, %and3A_179] : memref<128x4x128xf32, #tpu.memory_space<vmem>>[vector<16xi32>, vector<16xi32>, vector<16xi32>], vector<16xf32>,
      %mul3A_217 = arith.constant 5.120000e+02 : f32
      %mul3A_218 = vector.broadcast %mul3A_217 : f32 to vector<16xf32>
      %mul3A_219 = arith.mulf %gather3A_216, %mul3A_218 : vector<16xf32>
      %mul3A_220 = arith.constant 16 : i32
      %mul3A_221 = arith.muli %mul3A_220, %scan3A_168 : i32
      %add3A_222 = arith.constant 128 : i32
      %add3A_223 = arith.addi %add3A_222, %mul3A_221 : i32
      %swap3A_224 = arith.index_cast %add3A_223 : i32 to index
      %swap3A_225 = tpu.vector_load %arg15[%swap3A_224] {strides = array<i32>} : memref<512xf32, #tpu.memory_space<vmem>>, vector<16xf32>,
      tpu.vector_store %arg15[%swap3A_224], %mul3A_219 {strides = array<i32>} : memref<512xf32, #tpu.memory_space<vmem>>, vector<16xf32>,
      %mul3A_226 = arith.constant 0 : i32
      %mul3A_227 = vector.broadcast %mul3A_226 : i32 to vector<16xi32>
      %mul3A_228 = arith.muli %iota3A, %mul3A_227 : vector<16xi32>
      %add3A_229 = arith.constant 3 : i32
      %add3A_230 = vector.broadcast %add3A_229 : i32 to vector<16xi32>
      %add3A_231 = arith.addi %mul3A_228, %add3A_230 : vector<16xi32>
      %gather3A_232 = tpu.vector_load_idx %arg12[%add3A_172, %add3A_231, %and3A_179] : memref<128x4x128xf32, #tpu.memory_space<vmem>>[vector<16xi32>, vector<16xi32>, vector<16xi32>], vector<16xf32>,
      %mul3A_233 = arith.constant 3.840000e+02 : f32
      %mul3A_234 = vector.broadcast %mul3A_233 : f32 to vector<16xf32>
      %mul3A_235 = arith.mulf %gather3A_232, %mul3A_234 : vector<16xf32>
      %mul3A_236 = arith.constant 16 : i32
      %mul3A_237 = arith.muli %mul3A_236, %scan3A_168 : i32
      %add3A_238 = arith.constant 128 : i32
      %add3A_239 = arith.addi %add3A_238, %mul3A_237 : i32
      %swap3A_240 = arith.index_cast %add3A_239 : i32 to index
      %swap3A_241 = tpu.vector_load %arg16[%swap3A_240] {strides = array<i32>} : memref<512xf32, #tpu.memory_space<vmem>>, vector<16xf32>,
      tpu.vector_store %arg16[%swap3A_240], %mul3A_235 {strides = array<i32>} : memref<512xf32, #tpu.memory_space<vmem>>, vector<16xf32>,
    }
    %scan3A_81 = arith.constant 8 : i32
    %dma_start3A_82 = arith.constant 2 : i32
    %dma_start3A_83 = arith.constant 0 : i32
    %dma_start3A_84 = tpu.memref_slice %arg11[%dma_start3A_82, %dma_start3A_83] : memref<4x128xi32, #tpu.memory_space<vmem>> -> memref<1x128xi32, #tpu.memory_space<vmem>>
    %dma_start3A_85 = tpu.memref_squeeze %dma_start3A_84 : memref<1x128xi32, #tpu.memory_space<vmem>> -> memref<128xi32, #tpu.memory_space<vmem>>
    %dma_start3A_86 = arith.constant 0 : i32
    %dma_start3A_87 = arith.constant 0 : i32
    %dma_start3A_88 = arith.constant 0 : i32
    %dma_start3A_89 = tpu.memref_slice %arg3[%dma_start3A_86, %dma_start3A_87, %dma_start3A_88] : memref<7813x4x128xf32, #tpu.memory_space<hbm>> -> memref<7813x4x128xf32, #tpu.memory_space<hbm>>
    tpu.enqueue_indirect_dma source(%dma_start3A_89 : memref<7813x4x128xf32, #tpu.memory_space<hbm>>) target(%arg12 : memref<128x4x128xf32, #tpu.memory_space<vmem>>) offsets(%dma_start3A_85 : memref<128xi32, #tpu.memory_space<vmem>>) semaphore(%arg18 : memref<!tpu.dma_semaphore, #tpu.memory_space<semaphore_mem>>)
    %dma_wait3A_90 = arith.constant 2 : i32
    %dma_wait3A_91 = arith.constant 0 : i32
    %dma_wait3A_92 = tpu.memref_slice %arg11[%dma_wait3A_90, %dma_wait3A_91] : memref<4x128xi32, #tpu.memory_space<vmem>> -> memref<1x128xi32, #tpu.memory_space<vmem>>
    %dma_wait3A_93 = tpu.memref_squeeze %dma_wait3A_92 : memref<1x128xi32, #tpu.memory_space<vmem>> -> memref<128xi32, #tpu.memory_space<vmem>>
    %dma_wait3A_94 = arith.constant 0 : i32
    %dma_wait3A_95 = arith.constant 0 : i32
    %dma_wait3A_96 = arith.constant 0 : i32
    %dma_wait3A_97 = tpu.memref_slice %arg3[%dma_wait3A_94, %dma_wait3A_95, %dma_wait3A_96] : memref<7813x4x128xf32, #tpu.memory_space<hbm>> -> memref<7813x4x128xf32, #tpu.memory_space<hbm>>
    tpu.wait_indirect_dma semaphore(%arg18 : memref<!tpu.dma_semaphore, #tpu.memory_space<semaphore_mem>>) src(%dma_wait3A_97 : memref<7813x4x128xf32, #tpu.memory_space<hbm>>) dst(%arg12 : memref<128x4x128xf32, #tpu.memory_space<vmem>>)
    %scan3A_98 = arith.constant 0 : i32
    %scan3A_99 = arith.constant 0 : i32
    %scan3A_100 = arith.constant 8 : i32
    %scan3A_101 = arith.addi %scan3A_99, %scan3A_100 : i32
    %scan3A_102 = arith.constant 1 : i32
    scf.for %scan3A_168 = %scan3A_99 to %scan3A_101 step %scan3A_102  : i32 {
      %mul3A_169 = arith.constant 16 : i32
      %mul3A_170 = arith.muli %mul3A_169, %scan3A_168 : i32
      %add3A_171 = vector.broadcast %mul3A_170 : i32 to vector<16xi32>
      %add3A_172 = arith.addi %add3A_171, %iota3A : vector<16xi32>
      %mul3A_173 = arith.constant 16 : i32
      %mul3A_174 = arith.muli %mul3A_173, %scan3A_168 : i32
      %get3A = arith.constant 2 : i32
      %get3A_175 = arith.index_cast %get3A : i32 to index
      %get3A_176 = arith.index_cast %mul3A_174 : i32 to index
      %get3A_177 = tpu.vector_load %arg10[%get3A_175, %get3A_176] {strides = array<i32>} : memref<4x128xi32, #tpu.memory_space<vmem>>, vector<16xi32>,
      %and3A = arith.constant 127 : i32
      %and3A_178 = vector.broadcast %and3A : i32 to vector<16xi32>
      %and3A_179 = arith.andi %get3A_177, %and3A_178 : vector<16xi32>
      %mul3A_180 = arith.constant 0 : i32
      %mul3A_181 = vector.broadcast %mul3A_180 : i32 to vector<16xi32>
      %mul3A_182 = arith.muli %iota3A, %mul3A_181 : vector<16xi32>
      %add3A_183 = arith.constant 0 : i32
      %add3A_184 = vector.broadcast %add3A_183 : i32 to vector<16xi32>
      %add3A_185 = arith.addi %mul3A_182, %add3A_184 : vector<16xi32>
      %gather3A = tpu.vector_load_idx %arg12[%add3A_172, %add3A_185, %and3A_179] : memref<128x4x128xf32, #tpu.memory_space<vmem>>[vector<16xi32>, vector<16xi32>, vector<16xi32>], vector<16xf32>,
      %mul3A_186 = arith.constant 4.480000e+02 : f32
      %mul3A_187 = vector.broadcast %mul3A_186 : f32 to vector<16xf32>
      %mul3A_188 = arith.mulf %gather3A, %mul3A_187 : vector<16xf32>
      %mul3A_189 = arith.constant 16 : i32
      %mul3A_190 = arith.muli %mul3A_189, %scan3A_168 : i32
      %add3A_191 = arith.constant 256 : i32
      %add3A_192 = arith.addi %add3A_191, %mul3A_190 : i32
      %swap3A = arith.index_cast %add3A_192 : i32 to index
      %swap3A_193 = tpu.vector_load %arg13[%swap3A] {strides = array<i32>} : memref<512xf32, #tpu.memory_space<vmem>>, vector<16xf32>,
      tpu.vector_store %arg13[%swap3A], %mul3A_188 {strides = array<i32>} : memref<512xf32, #tpu.memory_space<vmem>>, vector<16xf32>,
      %mul3A_194 = arith.constant 0 : i32
      %mul3A_195 = vector.broadcast %mul3A_194 : i32 to vector<16xi32>
      %mul3A_196 = arith.muli %iota3A, %mul3A_195 : vector<16xi32>
      %add3A_197 = arith.constant 1 : i32
      %add3A_198 = vector.broadcast %add3A_197 : i32 to vector<16xi32>
      %add3A_199 = arith.addi %mul3A_196, %add3A_198 : vector<16xi32>
      %gather3A_200 = tpu.vector_load_idx %arg12[%add3A_172, %add3A_199, %and3A_179] : memref<128x4x128xf32, #tpu.memory_space<vmem>>[vector<16xi32>, vector<16xi32>, vector<16xi32>], vector<16xf32>,
      %mul3A_201 = arith.constant 4.480000e+02 : f32
      %mul3A_202 = vector.broadcast %mul3A_201 : f32 to vector<16xf32>
      %mul3A_203 = arith.mulf %gather3A_200, %mul3A_202 : vector<16xf32>
      %mul3A_204 = arith.constant 16 : i32
      %mul3A_205 = arith.muli %mul3A_204, %scan3A_168 : i32
      %add3A_206 = arith.constant 256 : i32
      %add3A_207 = arith.addi %add3A_206, %mul3A_205 : i32
      %swap3A_208 = arith.index_cast %add3A_207 : i32 to index
      %swap3A_209 = tpu.vector_load %arg14[%swap3A_208] {strides = array<i32>} : memref<512xf32, #tpu.memory_space<vmem>>, vector<16xf32>,
      tpu.vector_store %arg14[%swap3A_208], %mul3A_203 {strides = array<i32>} : memref<512xf32, #tpu.memory_space<vmem>>, vector<16xf32>,
      %mul3A_210 = arith.constant 0 : i32
      %mul3A_211 = vector.broadcast %mul3A_210 : i32 to vector<16xi32>
      %mul3A_212 = arith.muli %iota3A, %mul3A_211 : vector<16xi32>
      %add3A_213 = arith.constant 2 : i32
      %add3A_214 = vector.broadcast %add3A_213 : i32 to vector<16xi32>
      %add3A_215 = arith.addi %mul3A_212, %add3A_214 : vector<16xi32>
      %gather3A_216 = tpu.vector_load_idx %arg12[%add3A_172, %add3A_215, %and3A_179] : memref<128x4x128xf32, #tpu.memory_space<vmem>>[vector<16xi32>, vector<16xi32>, vector<16xi32>], vector<16xf32>,
      %mul3A_217 = arith.constant 5.120000e+02 : f32
      %mul3A_218 = vector.broadcast %mul3A_217 : f32 to vector<16xf32>
      %mul3A_219 = arith.mulf %gather3A_216, %mul3A_218 : vector<16xf32>
      %mul3A_220 = arith.constant 16 : i32
      %mul3A_221 = arith.muli %mul3A_220, %scan3A_168 : i32
      %add3A_222 = arith.constant 256 : i32
      %add3A_223 = arith.addi %add3A_222, %mul3A_221 : i32
      %swap3A_224 = arith.index_cast %add3A_223 : i32 to index
      %swap3A_225 = tpu.vector_load %arg15[%swap3A_224] {strides = array<i32>} : memref<512xf32, #tpu.memory_space<vmem>>, vector<16xf32>,
      tpu.vector_store %arg15[%swap3A_224], %mul3A_219 {strides = array<i32>} : memref<512xf32, #tpu.memory_space<vmem>>, vector<16xf32>,
      %mul3A_226 = arith.constant 0 : i32
      %mul3A_227 = vector.broadcast %mul3A_226 : i32 to vector<16xi32>
      %mul3A_228 = arith.muli %iota3A, %mul3A_227 : vector<16xi32>
      %add3A_229 = arith.constant 3 : i32
      %add3A_230 = vector.broadcast %add3A_229 : i32 to vector<16xi32>
      %add3A_231 = arith.addi %mul3A_228, %add3A_230 : vector<16xi32>
      %gather3A_232 = tpu.vector_load_idx %arg12[%add3A_172, %add3A_231, %and3A_179] : memref<128x4x128xf32, #tpu.memory_space<vmem>>[vector<16xi32>, vector<16xi32>, vector<16xi32>], vector<16xf32>,
      %mul3A_233 = arith.constant 3.840000e+02 : f32
      %mul3A_234 = vector.broadcast %mul3A_233 : f32 to vector<16xf32>
      %mul3A_235 = arith.mulf %gather3A_232, %mul3A_234 : vector<16xf32>
      %mul3A_236 = arith.constant 16 : i32
      %mul3A_237 = arith.muli %mul3A_236, %scan3A_168 : i32
      %add3A_238 = arith.constant 256 : i32
      %add3A_239 = arith.addi %add3A_238, %mul3A_237 : i32
      %swap3A_240 = arith.index_cast %add3A_239 : i32 to index
      %swap3A_241 = tpu.vector_load %arg16[%swap3A_240] {strides = array<i32>} : memref<512xf32, #tpu.memory_space<vmem>>, vector<16xf32>,
      tpu.vector_store %arg16[%swap3A_240], %mul3A_235 {strides = array<i32>} : memref<512xf32, #tpu.memory_space<vmem>>, vector<16xf32>,
    }
    %scan3A_103 = arith.constant 8 : i32
    %dma_start3A_104 = arith.constant 3 : i32
    %dma_start3A_105 = arith.constant 0 : i32
    %dma_start3A_106 = tpu.memref_slice %arg11[%dma_start3A_104, %dma_start3A_105] : memref<4x128xi32, #tpu.memory_space<vmem>> -> memref<1x128xi32, #tpu.memory_space<vmem>>
    %dma_start3A_107 = tpu.memref_squeeze %dma_start3A_106 : memref<1x128xi32, #tpu.memory_space<vmem>> -> memref<128xi32, #tpu.memory_space<vmem>>
    %dma_start3A_108 = arith.constant 0 : i32
    %dma_start3A_109 = arith.constant 0 : i32
    %dma_start3A_110 = arith.constant 0 : i32
    %dma_start3A_111 = tpu.memref_slice %arg3[%dma_start3A_108, %dma_start3A_109, %dma_start3A_110] : memref<7813x4x128xf32, #tpu.memory_space<hbm>> -> memref<7813x4x128xf32, #tpu.memory_space<hbm>>
    tpu.enqueue_indirect_dma source(%dma_start3A_111 : memref<7813x4x128xf32, #tpu.memory_space<hbm>>) target(%arg12 : memref<128x4x128xf32, #tpu.memory_space<vmem>>) offsets(%dma_start3A_107 : memref<128xi32, #tpu.memory_space<vmem>>) semaphore(%arg18 : memref<!tpu.dma_semaphore, #tpu.memory_space<semaphore_mem>>)
    %dma_wait3A_112 = arith.constant 3 : i32
    %dma_wait3A_113 = arith.constant 0 : i32
    %dma_wait3A_114 = tpu.memref_slice %arg11[%dma_wait3A_112, %dma_wait3A_113] : memref<4x128xi32, #tpu.memory_space<vmem>> -> memref<1x128xi32, #tpu.memory_space<vmem>>
    %dma_wait3A_115 = tpu.memref_squeeze %dma_wait3A_114 : memref<1x128xi32, #tpu.memory_space<vmem>> -> memref<128xi32, #tpu.memory_space<vmem>>
    %dma_wait3A_116 = arith.constant 0 : i32
    %dma_wait3A_117 = arith.constant 0 : i32
    %dma_wait3A_118 = arith.constant 0 : i32
    %dma_wait3A_119 = tpu.memref_slice %arg3[%dma_wait3A_116, %dma_wait3A_117, %dma_wait3A_118] : memref<7813x4x128xf32, #tpu.memory_space<hbm>> -> memref<7813x4x128xf32, #tpu.memory_space<hbm>>
    tpu.wait_indirect_dma semaphore(%arg18 : memref<!tpu.dma_semaphore, #tpu.memory_space<semaphore_mem>>) src(%dma_wait3A_119 : memref<7813x4x128xf32, #tpu.memory_space<hbm>>) dst(%arg12 : memref<128x4x128xf32, #tpu.memory_space<vmem>>)
    %scan3A_120 = arith.constant 0 : i32
    %scan3A_121 = arith.constant 0 : i32
    %scan3A_122 = arith.constant 8 : i32
    %scan3A_123 = arith.addi %scan3A_121, %scan3A_122 : i32
    %scan3A_124 = arith.constant 1 : i32
    scf.for %scan3A_168 = %scan3A_121 to %scan3A_123 step %scan3A_124  : i32 {
      %mul3A_169 = arith.constant 16 : i32
      %mul3A_170 = arith.muli %mul3A_169, %scan3A_168 : i32
      %add3A_171 = vector.broadcast %mul3A_170 : i32 to vector<16xi32>
      %add3A_172 = arith.addi %add3A_171, %iota3A : vector<16xi32>
      %mul3A_173 = arith.constant 16 : i32
      %mul3A_174 = arith.muli %mul3A_173, %scan3A_168 : i32
      %get3A = arith.constant 3 : i32
      %get3A_175 = arith.index_cast %get3A : i32 to index
      %get3A_176 = arith.index_cast %mul3A_174 : i32 to index
      %get3A_177 = tpu.vector_load %arg10[%get3A_175, %get3A_176] {strides = array<i32>} : memref<4x128xi32, #tpu.memory_space<vmem>>, vector<16xi32>,
      %and3A = arith.constant 127 : i32
      %and3A_178 = vector.broadcast %and3A : i32 to vector<16xi32>
      %and3A_179 = arith.andi %get3A_177, %and3A_178 : vector<16xi32>
      %mul3A_180 = arith.constant 0 : i32
      %mul3A_181 = vector.broadcast %mul3A_180 : i32 to vector<16xi32>
      %mul3A_182 = arith.muli %iota3A, %mul3A_181 : vector<16xi32>
      %add3A_183 = arith.constant 0 : i32
      %add3A_184 = vector.broadcast %add3A_183 : i32 to vector<16xi32>
      %add3A_185 = arith.addi %mul3A_182, %add3A_184 : vector<16xi32>
      %gather3A = tpu.vector_load_idx %arg12[%add3A_172, %add3A_185, %and3A_179] : memref<128x4x128xf32, #tpu.memory_space<vmem>>[vector<16xi32>, vector<16xi32>, vector<16xi32>], vector<16xf32>,
      %mul3A_186 = arith.constant 4.480000e+02 : f32
      %mul3A_187 = vector.broadcast %mul3A_186 : f32 to vector<16xf32>
      %mul3A_188 = arith.mulf %gather3A, %mul3A_187 : vector<16xf32>
      %mul3A_189 = arith.constant 16 : i32
      %mul3A_190 = arith.muli %mul3A_189, %scan3A_168 : i32
      %add3A_191 = arith.constant 384 : i32
      %add3A_192 = arith.addi %add3A_191, %mul3A_190 : i32
      %swap3A = arith.index_cast %add3A_192 : i32 to index
      %swap3A_193 = tpu.vector_load %arg13[%swap3A] {strides = array<i32>} : memref<512xf32, #tpu.memory_space<vmem>>, vector<16xf32>,
      tpu.vector_store %arg13[%swap3A], %mul3A_188 {strides = array<i32>} : memref<512xf32, #tpu.memory_space<vmem>>, vector<16xf32>,
      %mul3A_194 = arith.constant 0 : i32
      %mul3A_195 = vector.broadcast %mul3A_194 : i32 to vector<16xi32>
      %mul3A_196 = arith.muli %iota3A, %mul3A_195 : vector<16xi32>
      %add3A_197 = arith.constant 1 : i32
      %add3A_198 = vector.broadcast %add3A_197 : i32 to vector<16xi32>
      %add3A_199 = arith.addi %mul3A_196, %add3A_198 : vector<16xi32>
      %gather3A_200 = tpu.vector_load_idx %arg12[%add3A_172, %add3A_199, %and3A_179] : memref<128x4x128xf32, #tpu.memory_space<vmem>>[vector<16xi32>, vector<16xi32>, vector<16xi32>], vector<16xf32>,
      %mul3A_201 = arith.constant 4.480000e+02 : f32
      %mul3A_202 = vector.broadcast %mul3A_201 : f32 to vector<16xf32>
      %mul3A_203 = arith.mulf %gather3A_200, %mul3A_202 : vector<16xf32>
      %mul3A_204 = arith.constant 16 : i32
      %mul3A_205 = arith.muli %mul3A_204, %scan3A_168 : i32
      %add3A_206 = arith.constant 384 : i32
      %add3A_207 = arith.addi %add3A_206, %mul3A_205 : i32
      %swap3A_208 = arith.index_cast %add3A_207 : i32 to index
      %swap3A_209 = tpu.vector_load %arg14[%swap3A_208] {strides = array<i32>} : memref<512xf32, #tpu.memory_space<vmem>>, vector<16xf32>,
      tpu.vector_store %arg14[%swap3A_208], %mul3A_203 {strides = array<i32>} : memref<512xf32, #tpu.memory_space<vmem>>, vector<16xf32>,
      %mul3A_210 = arith.constant 0 : i32
      %mul3A_211 = vector.broadcast %mul3A_210 : i32 to vector<16xi32>
      %mul3A_212 = arith.muli %iota3A, %mul3A_211 : vector<16xi32>
      %add3A_213 = arith.constant 2 : i32
      %add3A_214 = vector.broadcast %add3A_213 : i32 to vector<16xi32>
      %add3A_215 = arith.addi %mul3A_212, %add3A_214 : vector<16xi32>
      %gather3A_216 = tpu.vector_load_idx %arg12[%add3A_172, %add3A_215, %and3A_179] : memref<128x4x128xf32, #tpu.memory_space<vmem>>[vector<16xi32>, vector<16xi32>, vector<16xi32>], vector<16xf32>,
      %mul3A_217 = arith.constant 5.120000e+02 : f32
      %mul3A_218 = vector.broadcast %mul3A_217 : f32 to vector<16xf32>
      %mul3A_219 = arith.mulf %gather3A_216, %mul3A_218 : vector<16xf32>
      %mul3A_220 = arith.constant 16 : i32
      %mul3A_221 = arith.muli %mul3A_220, %scan3A_168 : i32
      %add3A_222 = arith.constant 384 : i32
      %add3A_223 = arith.addi %add3A_222, %mul3A_221 : i32
      %swap3A_224 = arith.index_cast %add3A_223 : i32 to index
      %swap3A_225 = tpu.vector_load %arg15[%swap3A_224] {strides = array<i32>} : memref<512xf32, #tpu.memory_space<vmem>>, vector<16xf32>,
      tpu.vector_store %arg15[%swap3A_224], %mul3A_219 {strides = array<i32>} : memref<512xf32, #tpu.memory_space<vmem>>, vector<16xf32>,
      %mul3A_226 = arith.constant 0 : i32
      %mul3A_227 = vector.broadcast %mul3A_226 : i32 to vector<16xi32>
      %mul3A_228 = arith.muli %iota3A, %mul3A_227 : vector<16xi32>
      %add3A_229 = arith.constant 3 : i32
      %add3A_230 = vector.broadcast %add3A_229 : i32 to vector<16xi32>
      %add3A_231 = arith.addi %mul3A_228, %add3A_230 : vector<16xi32>
      %gather3A_232 = tpu.vector_load_idx %arg12[%add3A_172, %add3A_231, %and3A_179] : memref<128x4x128xf32, #tpu.memory_space<vmem>>[vector<16xi32>, vector<16xi32>, vector<16xi32>], vector<16xf32>,
      %mul3A_233 = arith.constant 3.840000e+02 : f32
      %mul3A_234 = vector.broadcast %mul3A_233 : f32 to vector<16xf32>
      %mul3A_235 = arith.mulf %gather3A_232, %mul3A_234 : vector<16xf32>
      %mul3A_236 = arith.constant 16 : i32
      %mul3A_237 = arith.muli %mul3A_236, %scan3A_168 : i32
      %add3A_238 = arith.constant 384 : i32
      %add3A_239 = arith.addi %add3A_238, %mul3A_237 : i32
      %swap3A_240 = arith.index_cast %add3A_239 : i32 to index
      %swap3A_241 = tpu.vector_load %arg16[%swap3A_240] {strides = array<i32>} : memref<512xf32, #tpu.memory_space<vmem>>, vector<16xf32>,
      tpu.vector_store %arg16[%swap3A_240], %mul3A_235 {strides = array<i32>} : memref<512xf32, #tpu.memory_space<vmem>>, vector<16xf32>,
    }
    %scan3A_125 = arith.constant 8 : i32
    %dma_wait3A_126 = arith.constant 0 : i32
    %dma_wait3A_127 = arith.constant 0 : i32
    %dma_wait3A_128 = tpu.memref_slice %arg17[%dma_wait3A_127] : memref<512xf32, #tpu.memory_space<vmem>> -> memref<128xf32, #tpu.memory_space<vmem>>
    %dma_wait3A_129 = arith.constant 0 : i32
    %dma_wait3A_130 = tpu.memref_slice %arg10[%dma_wait3A_126, %dma_wait3A_129] : memref<4x128xi32, #tpu.memory_space<vmem>> -> memref<1x128xi32, #tpu.memory_space<vmem>>
    %dma_wait3A_131 = tpu.memref_squeeze %dma_wait3A_130 : memref<1x128xi32, #tpu.memory_space<vmem>> -> memref<128xi32, #tpu.memory_space<vmem>>
    %dma_wait3A_132 = arith.constant 0 : i32
    %dma_wait3A_133 = tpu.memref_slice %arg4[%dma_wait3A_132] : memref<1000000xf32, #tpu.memory_space<hbm>> -> memref<1000000xf32, #tpu.memory_space<hbm>>
    tpu.wait_indirect_dma semaphore(%arg19 : memref<!tpu.dma_semaphore, #tpu.memory_space<semaphore_mem>>) src(%dma_wait3A_133 : memref<1000000xf32, #tpu.memory_space<hbm>>) dst(%dma_wait3A_128 : memref<128xf32, #tpu.memory_space<vmem>>)
    %dma_wait3A_134 = arith.constant 1 : i32
    %dma_wait3A_135 = arith.constant 128 : i32
    %dma_wait3A_136 = tpu.memref_slice %arg17[%dma_wait3A_135] : memref<512xf32, #tpu.memory_space<vmem>> -> memref<128xf32, #tpu.memory_space<vmem>>
    %dma_wait3A_137 = arith.constant 0 : i32
    %dma_wait3A_138 = tpu.memref_slice %arg10[%dma_wait3A_134, %dma_wait3A_137] : memref<4x128xi32, #tpu.memory_space<vmem>> -> memref<1x128xi32, #tpu.memory_space<vmem>>
    %dma_wait3A_139 = tpu.memref_squeeze %dma_wait3A_138 : memref<1x128xi32, #tpu.memory_space<vmem>> -> memref<128xi32, #tpu.memory_space<vmem>>
    %dma_wait3A_140 = arith.constant 0 : i32
    %dma_wait3A_141 = tpu.memref_slice %arg4[%dma_wait3A_140] : memref<1000000xf32, #tpu.memory_space<hbm>> -> memref<1000000xf32, #tpu.memory_space<hbm>>
    tpu.wait_indirect_dma semaphore(%arg19 : memref<!tpu.dma_semaphore, #tpu.memory_space<semaphore_mem>>) src(%dma_wait3A_141 : memref<1000000xf32, #tpu.memory_space<hbm>>) dst(%dma_wait3A_136 : memref<128xf32, #tpu.memory_space<vmem>>)
    %dma_wait3A_142 = arith.constant 2 : i32
    %dma_wait3A_143 = arith.constant 256 : i32
    %dma_wait3A_144 = tpu.memref_slice %arg17[%dma_wait3A_143] : memref<512xf32, #tpu.memory_space<vmem>> -> memref<128xf32, #tpu.memory_space<vmem>>
    %dma_wait3A_145 = arith.constant 0 : i32
    %dma_wait3A_146 = tpu.memref_slice %arg10[%dma_wait3A_142, %dma_wait3A_145] : memref<4x128xi32, #tpu.memory_space<vmem>> -> memref<1x128xi32, #tpu.memory_space<vmem>>
    %dma_wait3A_147 = tpu.memref_squeeze %dma_wait3A_146 : memref<1x128xi32, #tpu.memory_space<vmem>> -> memref<128xi32, #tpu.memory_space<vmem>>
    %dma_wait3A_148 = arith.constant 0 : i32
    %dma_wait3A_149 = tpu.memref_slice %arg4[%dma_wait3A_148] : memref<1000000xf32, #tpu.memory_space<hbm>> -> memref<1000000xf32, #tpu.memory_space<hbm>>
    tpu.wait_indirect_dma semaphore(%arg19 : memref<!tpu.dma_semaphore, #tpu.memory_space<semaphore_mem>>) src(%dma_wait3A_149 : memref<1000000xf32, #tpu.memory_space<hbm>>) dst(%dma_wait3A_144 : memref<128xf32, #tpu.memory_space<vmem>>)
    %dma_wait3A_150 = arith.constant 3 : i32
    %dma_wait3A_151 = arith.constant 384 : i32
    %dma_wait3A_152 = tpu.memref_slice %arg17[%dma_wait3A_151] : memref<512xf32, #tpu.memory_space<vmem>> -> memref<128xf32, #tpu.memory_space<vmem>>
    %dma_wait3A_153 = arith.constant 0 : i32
    %dma_wait3A_154 = tpu.memref_slice %arg10[%dma_wait3A_150, %dma_wait3A_153] : memref<4x128xi32, #tpu.memory_space<vmem>> -> memref<1x128xi32, #tpu.memory_space<vmem>>
    %dma_wait3A_155 = tpu.memref_squeeze %dma_wait3A_154 : memref<1x128xi32, #tpu.memory_space<vmem>> -> memref<128xi32, #tpu.memory_space<vmem>>
    %dma_wait3A_156 = arith.constant 0 : i32
    %dma_wait3A_157 = tpu.memref_slice %arg4[%dma_wait3A_156] : memref<1000000xf32, #tpu.memory_space<hbm>> -> memref<1000000xf32, #tpu.memory_space<hbm>>
    tpu.wait_indirect_dma semaphore(%arg19 : memref<!tpu.dma_semaphore, #tpu.memory_space<semaphore_mem>>) src(%dma_wait3A_157 : memref<1000000xf32, #tpu.memory_space<hbm>>) dst(%dma_wait3A_152 : memref<128xf32, #tpu.memory_space<vmem>>)
    %mul3A_158 = arith.constant 512 : i32
    %mul3A_159 = arith.muli %add3A, %mul3A_158 : i32
    "tpu.region"() ({
      %run_scoped3A = tpu.sem_alloc : memref<!tpu.dma_semaphore, #tpu.memory_space<semaphore_mem>>
      %dma_start3A_168 = tpu.memref_slice %arg5[%mul3A_159] : memref<16384xf32, #tpu.memory_space<hbm>> -> memref<512xf32, #tpu.memory_space<hbm>>
      %dma_start3A_169 = tpu.memref_slice %arg5[%mul3A_159] : memref<16384xf32, #tpu.memory_space<hbm>> -> memref<512xf32, #tpu.memory_space<hbm>>
      tpu.enqueue_dma source(%arg13 : memref<512xf32, #tpu.memory_space<vmem>>) target(%dma_start3A_169 : memref<512xf32, #tpu.memory_space<hbm>>) target_semaphore(%run_scoped3A : memref<!tpu.dma_semaphore, #tpu.memory_space<semaphore_mem>>)
      %dma_wait3A_170 = tpu.memref_slice %arg5[%mul3A_159] : memref<16384xf32, #tpu.memory_space<hbm>> -> memref<512xf32, #tpu.memory_space<hbm>>
      %dma_wait3A_171 = tpu.memref_slice %arg5[%mul3A_159] : memref<16384xf32, #tpu.memory_space<hbm>> -> memref<512xf32, #tpu.memory_space<hbm>>
      tpu.wait_dma2 semaphore(%run_scoped3A : memref<!tpu.dma_semaphore, #tpu.memory_space<semaphore_mem>>) src(%arg13 : memref<512xf32, #tpu.memory_space<vmem>>) dst(%dma_wait3A_171 : memref<512xf32, #tpu.memory_space<hbm>>)
      tpu.yield
    }) : () -> ()
    %mul3A_160 = arith.constant 512 : i32
    %mul3A_161 = arith.muli %add3A, %mul3A_160 : i32
    "tpu.region"() ({
      %run_scoped3A = tpu.sem_alloc : memref<!tpu.dma_semaphore, #tpu.memory_space<semaphore_mem>>
      %dma_start3A_168 = tpu.memref_slice %arg6[%mul3A_161] : memref<16384xf32, #tpu.memory_space<hbm>> -> memref<512xf32, #tpu.memory_space<hbm>>
      %dma_start3A_169 = tpu.memref_slice %arg6[%mul3A_161] : memref<16384xf32, #tpu.memory_space<hbm>> -> memref<512xf32, #tpu.memory_space<hbm>>
      tpu.enqueue_dma source(%arg14 : memref<512xf32, #tpu.memory_space<vmem>>) target(%dma_start3A_169 : memref<512xf32, #tpu.memory_space<hbm>>) target_semaphore(%run_scoped3A : memref<!tpu.dma_semaphore, #tpu.memory_space<semaphore_mem>>)
      %dma_wait3A_170 = tpu.memref_slice %arg6[%mul3A_161] : memref<16384xf32, #tpu.memory_space<hbm>> -> memref<512xf32, #tpu.memory_space<hbm>>
      %dma_wait3A_171 = tpu.memref_slice %arg6[%mul3A_161] : memref<16384xf32, #tpu.memory_space<hbm>> -> memref<512xf32, #tpu.memory_space<hbm>>
      tpu.wait_dma2 semaphore(%run_scoped3A : memref<!tpu.dma_semaphore, #tpu.memory_space<semaphore_mem>>) src(%arg14 : memref<512xf32, #tpu.memory_space<vmem>>) dst(%dma_wait3A_171 : memref<512xf32, #tpu.memory_space<hbm>>)
      tpu.yield
    }) : () -> ()
    %mul3A_162 = arith.constant 512 : i32
    %mul3A_163 = arith.muli %add3A, %mul3A_162 : i32
    "tpu.region"() ({
      %run_scoped3A = tpu.sem_alloc : memref<!tpu.dma_semaphore, #tpu.memory_space<semaphore_mem>>
      %dma_start3A_168 = tpu.memref_slice %arg7[%mul3A_163] : memref<16384xf32, #tpu.memory_space<hbm>> -> memref<512xf32, #tpu.memory_space<hbm>>
      %dma_start3A_169 = tpu.memref_slice %arg7[%mul3A_163] : memref<16384xf32, #tpu.memory_space<hbm>> -> memref<512xf32, #tpu.memory_space<hbm>>
      tpu.enqueue_dma source(%arg15 : memref<512xf32, #tpu.memory_space<vmem>>) target(%dma_start3A_169 : memref<512xf32, #tpu.memory_space<hbm>>) target_semaphore(%run_scoped3A : memref<!tpu.dma_semaphore, #tpu.memory_space<semaphore_mem>>)
      %dma_wait3A_170 = tpu.memref_slice %arg7[%mul3A_163] : memref<16384xf32, #tpu.memory_space<hbm>> -> memref<512xf32, #tpu.memory_space<hbm>>
      %dma_wait3A_171 = tpu.memref_slice %arg7[%mul3A_163] : memref<16384xf32, #tpu.memory_space<hbm>> -> memref<512xf32, #tpu.memory_space<hbm>>
      tpu.wait_dma2 semaphore(%run_scoped3A : memref<!tpu.dma_semaphore, #tpu.memory_space<semaphore_mem>>) src(%arg15 : memref<512xf32, #tpu.memory_space<vmem>>) dst(%dma_wait3A_171 : memref<512xf32, #tpu.memory_space<hbm>>)
      tpu.yield
    }) : () -> ()
    %mul3A_164 = arith.constant 512 : i32
    %mul3A_165 = arith.muli %add3A, %mul3A_164 : i32
    "tpu.region"() ({
      %run_scoped3A = tpu.sem_alloc : memref<!tpu.dma_semaphore, #tpu.memory_space<semaphore_mem>>
      %dma_start3A_168 = tpu.memref_slice %arg8[%mul3A_165] : memref<16384xf32, #tpu.memory_space<hbm>> -> memref<512xf32, #tpu.memory_space<hbm>>
      %dma_start3A_169 = tpu.memref_slice %arg8[%mul3A_165] : memref<16384xf32, #tpu.memory_space<hbm>> -> memref<512xf32, #tpu.memory_space<hbm>>
      tpu.enqueue_dma source(%arg16 : memref<512xf32, #tpu.memory_space<vmem>>) target(%dma_start3A_169 : memref<512xf32, #tpu.memory_space<hbm>>) target_semaphore(%run_scoped3A : memref<!tpu.dma_semaphore, #tpu.memory_space<semaphore_mem>>)
      %dma_wait3A_170 = tpu.memref_slice %arg8[%mul3A_165] : memref<16384xf32, #tpu.memory_space<hbm>> -> memref<512xf32, #tpu.memory_space<hbm>>
      %dma_wait3A_171 = tpu.memref_slice %arg8[%mul3A_165] : memref<16384xf32, #tpu.memory_space<hbm>> -> memref<512xf32, #tpu.memory_space<hbm>>
      tpu.wait_dma2 semaphore(%run_scoped3A : memref<!tpu.dma_semaphore, #tpu.memory_space<semaphore_mem>>) src(%arg16 : memref<512xf32, #tpu.memory_space<vmem>>) dst(%dma_wait3A_171 : memref<512xf32, #tpu.memory_space<hbm>>)
      tpu.yield
    }) : () -> ()
    %mul3A_166 = arith.constant 512 : i32
    %mul3A_167 = arith.muli %add3A, %mul3A_166 : i32
    "tpu.region"() ({
      %run_scoped3A = tpu.sem_alloc : memref<!tpu.dma_semaphore, #tpu.memory_space<semaphore_mem>>
      %dma_start3A_168 = tpu.memref_slice %arg9[%mul3A_167] : memref<16384xf32, #tpu.memory_space<hbm>> -> memref<512xf32, #tpu.memory_space<hbm>>
      %dma_start3A_169 = tpu.memref_slice %arg9[%mul3A_167] : memref<16384xf32, #tpu.memory_space<hbm>> -> memref<512xf32, #tpu.memory_space<hbm>>
      tpu.enqueue_dma source(%arg17 : memref<512xf32, #tpu.memory_space<vmem>>) target(%dma_start3A_169 : memref<512xf32, #tpu.memory_space<hbm>>) target_semaphore(%run_scoped3A : memref<!tpu.dma_semaphore, #tpu.memory_space<semaphore_mem>>)
      %dma_wait3A_170 = tpu.memref_slice %arg9[%mul3A_167] : memref<16384xf32, #tpu.memory_space<hbm>> -> memref<512xf32, #tpu.memory_space<hbm>>
      %dma_wait3A_171 = tpu.memref_slice %arg9[%mul3A_167] : memref<16384xf32, #tpu.memory_space<hbm>> -> memref<512xf32, #tpu.memory_space<hbm>>
      tpu.wait_dma2 semaphore(%run_scoped3A : memref<!tpu.dma_semaphore, #tpu.memory_space<semaphore_mem>>) src(%arg17 : memref<512xf32, #tpu.memory_space<vmem>>) dst(%dma_wait3A_171 : memref<512xf32, #tpu.memory_space<hbm>>)
      tpu.yield
    }) : () -> ()
    return
  }
}

</mosaic_0001>

<sc_bundles>
// kernel: kernel.3.cloned.1.call-start
scs
__scs_entry_jumppad:
0x0: {  	(pc) =	sbr.rel $0x88, $3  }
0x1: {  	(tag) =	ssettag $0x0;
	lr =	simm.s32 $0x1  }
0x2: {  	[smem:$0x3F9E] =	sst lr;
	_ =	strace $0xD0000000  }
0x3: {  	_ = 	snop  }
0x4: {  	_ = 	snop  }
0x5: {  	_ = 	snop  }
0x6: {  	_ = 	snop  }
0x7: {  	_ = 	snop  }
__scs_overlays_trampoline_lowered:
0x8: {  	[smem:$0x3FAD] =	sst s0  }
0x9: {  	[smem:$0x3FAE] =	sst s1  }
0xa: {  	[smem:$0x3FAF] =	sst s2  }
0xb: {  	[smem:$0x3FB0] =	sst s3  }
0xc: {  	[smem:$0x3FB1] =	sst s4  }
0xd: {  	[smem:$0x3FB2] =	sst s5  }
0xe: {  	[smem:$0x3FB3] =	sst s6  }
0xf: {  	[smem:$0x3FB4] =	sst s7  }
0x10: {  	[smem:$0x3FB5] =	sst s8  }
0x11: {  	[smem:$0x3FB6] =	sst s9;
	s0 =	simm.s32 @!p0 $0x0  }
0x12: {  	s1 =	sld [smem:$0x3F9C];
	s0 =	simm.s32 @p0 $0x1  }
0x13: {  	[smem:$0x3FB7] =	sst s0;
	s0 =	simm.s32 @!p1 $0x0  }
0x14: {  	s2 =	sld [smem:$0x3F9B];
	s0 =	simm.s32 @p1 $0x1  }
0x15: {  	[smem:$0x3FB8] =	sst s0;
	s0 =	simm.s32 @!p2 $0x0  }
0x16: {  	s3 =	sld [smem:$0x3FDB];
	s0 =	simm.s32 @p2 $0x1  }
0x17: {  	s4 =	simm.s32 $0x1BF5;
	[smem:$0x3FBA] =	sst s0  }
0x18: {  	s0 =	sld [smem:$0x3F9D];
	_ =	swait.ge [sflag:s4], $0x0  }
0x19: {  	s7 =	sld [smem:$0x3F9E]  }
0x1a: {  	s8 =	sadd.s32 $0xFFFFE003, lr  }
0x1b: {  	s9 =	sadd.s32 $0xFFFFFEF7, lr;
	s5 =	simm.s32 $0xFFFFFFFF;
	p2 =	slt.u32 s8, $0xFFFFF086  }
0x1c: {  	p1 =	slt.u32 s9, $0xF7A;
	s5 =	simm.s32 @!p2 $0x0  }
0x1d: {  	s5 =	simm.s32 @p1 $0x1;
	p0 =	seq.s32 s7, s2  }
0x1e: {  	s7 =	smul.u32 @!p0 $0xF7A, s2;
	p2 =	seq.s32 @!p0 s5, $0x0  }
0x1f: {  	s9 =	smul.u32 $0xF7A, s1;
	s8 =	simm.s32 @!p0 $0x1BF5;
	p2 =	por !p2, p0  }
0x20: {  	[sflag:s8] =	ssyncset.s32 @!p0 $0xFFFFF086;
	s6 =	sadd.s32 @!p0 s3, s7;
	s7 =	simm.s32 @!p0 $0x108  }
0x21: {  	s3 =	sadd.s32 s3, s9;
	s6 =	sadd.s32 @!p0 $0x88, s6;
	s7 =	simm.s32 @p2 $0x1082  }
0x22: {  	[simem:s7], [sflag:s8] =	dma.local @!p0 [hbm:s6], $0xF7A  }
0x23: {  	s9 =	sor.u32 $0xD0000000, s2;
	s6 =	simm.s32 $0x108;
	_ =	swait.ge @!p0 [sflag:s8], $0x0  }
0x24: {  	s3 =	sadd.s32 $0x88, s3;
	s6 =	simm.s32 @!p1 $0x1082;
	[sflag:s4] =	ssyncset.s32 $0xFFFFF086  }
0x25: {  	[simem:s6], [sflag:s4] =	dma.local [hbm:s3], $0xF7A  }
0x26: {  	[smem:$0x3F9E] =	sst s1;
	(tag) =	ssettag s2;
	_ =	strace s9  }
0x27: {  	s1 =	sld [smem:$0x3FAE]  }
0x28: {  	s2 =	sld [smem:$0x3FAF]  }
0x29: {  	s4 =	sld [smem:$0x3FB1]  }
0x2a: {  	p0 =	seq.s32 s5, $0x0;
	s5 =	sld [smem:$0x3FB2]  }
0x2b: {  	s6 =	sld [smem:$0x3FB3]  }
0x2c: {  	s7 =	sld [smem:$0x3FB4]  }
0x2d: {  	s3 =	simm.s32 $0x108;
	s8 =	sld [smem:$0x3FB5]  }
0x2e: {  	s3 =	simm.s32 @!p0 $0x1082;
	s9 =	sld [smem:$0x3FB6]  }
0x2f: {  	lr =	sadd.s32 s0, s3;
	s0 =	sld [smem:$0x3FAD]  }
0x30: {  	s3 =	sld [smem:$0x3FB0]  }
0x31: {  	[smem:$0x3FB9] =	sst s10  }
0x32: {  	s10 =	sld [smem:$0x3FB7];
	_ =	sdelay $0x3  }
0x33: {  	p0 =	seq.s32 s10, $0x1;
	s10 =	sld [smem:$0x3FB9];
	_ =	sdelay $0x3  }
0x34: {  	[smem:$0x3FB9] =	sst s10  }
0x35: {  	s10 =	sld [smem:$0x3FB8];
	_ =	sdelay $0x3  }
0x36: {  	p1 =	seq.s32 s10, $0x1;
	s10 =	sld [smem:$0x3FB9];
	_ =	sdelay $0x3  }
0x37: {  	[smem:$0x3FB9] =	sst s10  }
0x38: {  	s10 =	sld [smem:$0x3FBA]  }
0x39: {  	_ = 	snop;
	(pc) =	sbr.ind lr, $3  }
0x3a: {  	_ = 	snop  }
0x3b: {  	_ = 	snop  }
0x3c: {  	p2 =	seq.s32 s10, $0x1;
	s10 =	sld [smem:$0x3FB9]  }
0x3d: {  	_ =	shalt  }
0x3e: {  	_ =	shalt  }
0x3f: {  	_ =	shalt  }
0x40: {  	_ =	shalt  }
0x41: {  	_ =	shalt  }
0x42: {  	_ =	shalt  }
0x43: {  	_ =	shalt  }
0x44: {  	_ =	shalt  }
0x45: {  	_ =	shalt  }
0x46: {  	_ =	shalt  }
0x47: {  	_ =	shalt  }
0x48: {  	_ =	shalt  }
0x49: {  	_ =	shalt  }
0x4a: {  	_ =	shalt  }
0x4b: {  	_ =	shalt  }
0x4c: {  	_ =	shalt  }
0x4d: {  	_ =	shalt  }
0x4e: {  	_ =	shalt  }
0x4f: {  	_ =	shalt  }
0x50: {  	_ =	shalt  }
0x51: {  	_ =	shalt  }
0x52: {  	_ =	shalt  }
0x53: {  	_ =	shalt  }
0x54: {  	_ =	shalt  }
0x55: {  	_ =	shalt  }
0x56: {  	_ =	shalt  }
0x57: {  	_ =	shalt  }
0x58: {  	_ =	shalt  }
0x59: {  	_ =	shalt  }
0x5a: {  	_ =	shalt  }
0x5b: {  	_ =	shalt  }
0x5c: {  	_ =	shalt  }
0x5d: {  	_ =	shalt  }
0x5e: {  	_ =	shalt  }
0x5f: {  	_ =	shalt  }
0x60: {  	_ =	shalt  }
0x61: {  	_ =	shalt  }
0x62: {  	_ =	shalt  }
0x63: {  	_ =	shalt  }
0x64: {  	_ =	shalt  }
0x65: {  	_ =	shalt  }
0x66: {  	_ =	shalt  }
0x67: {  	_ =	shalt  }
0x68: {  	_ =	shalt  }
0x69: {  	_ =	shalt  }
0x6a: {  	_ =	shalt  }
0x6b: {  	_ =	shalt  }
0x6c: {  	_ =	shalt  }
0x6d: {  	_ =	shalt  }
0x6e: {  	_ =	shalt  }
0x6f: {  	_ =	shalt  }
0x70: {  	_ =	shalt  }
0x71: {  	_ =	shalt  }
0x72: {  	_ =	shalt  }
0x73: {  	_ =	shalt  }
0x74: {  	_ =	shalt  }
0x75: {  	_ =	shalt  }
0x76: {  	_ =	shalt  }
0x77: {  	_ =	shalt  }
0x78: {  	_ =	shalt  }
0x79: {  	_ =	shalt  }
0x7a: {  	_ =	shalt  }
0x7b: {  	_ =	shalt  }
0x7c: {  	_ =	shalt  }
0x7d: {  	_ =	shalt  }
0x7e: {  	_ =	shalt  }
0x7f: {  	_ =	shalt  }
0x80: {  	_ =	shalt  }
0x81: {  	_ =	shalt  }
0x82: {  	_ =	shalt  }
0x83: {  	_ =	shalt  }
0x84: {  	_ =	shalt  }
0x85: {  	_ =	shalt  }
0x86: {  	_ =	shalt  }
0x87: {  	_ =	shalt  }
.Lfunc_end0:
.L_simem_size_0:
called_computation_lowered:
.L_overlay_start_0:
0x88: {  	s2 =	sld [smem:$0x3FD9]  }
0x89: {  	s3 =	sld [smem:$0x3FFE];
	_ =	sdelay $0x1  }
0x8a: {  	s1 =	srdreg.scid  }
0x8b: {  	s0 =	sand.u32 $0x1, s1  }
0x8c: {  	s14 =	sshll.u32 s0, $0xA;
	s2 =	sadd.s32 s3, s2  }
0x8d: {  	s2 =	sadd.s32 s2, s14  }
0x8e: {  	[smem:$0x3FC5] =	sst s2  }
0x8f: {  	_ = 	snop  }
0x90: {  	s2 =	sld [smem:$0x3FD0];
	_ =	sdelay $0x1  }
0x91: {  	s15 =	sld [smem:$0x3FC9]  }
0x92: {  	s5 =	simm.s32 $0xA;
	s6 =	simm.s32 $0x10;
	s4 =	sld [smem:$0x3FC7]  }
0x93: {  	[smem:s6], [sflag:s5] =	dma.local [hbm:s2], $0x1  }
0x94: {  	_ =	swait.eq [sflag:s5], $0x1  }
0x95: {  	[sflag:s5] =	ssyncset.done $0x0  }
0x96: {  	s16 =	sld [smem:$0x10];
	[sflag:s5] =	ssyncadd.s32 $0xFFFFFFFF  }
0x97: {  	s17 =	sld [smem:$0x11];
	(tm) =	ssettm $0x1  }
0x98: {  	s18 =	sld [smem:$0x3FFB];
	_ =	sdelay $0x3  }
0x99: {  	_ =	strace s18  }
0x9a: {  	s6 =	sld [smem:$0x3FFC];
	_ =	sdelay $0x3  }
0x9b: {  	_ =	strace s6  }
0x9c: {  	s6 =	sld [smem:$0x3FFD];
	_ =	sdelay $0x3  }
0x9d: {  	_ =	strace s6  }
0x9e: {  	_ =	strace $0x8FFFFFFF  }
0x9f: {  	s19 =	sld [smem:$0x3FDB];
	_ =	sdelay $0x1  }
0xa0: {  	s7 =	simm.s32 $_scs_section_size  }
0xa1: {  	s8 =	simm.s32 $_size__tile_overlayer_lowered;
	s9 =	simm.s32 $_tile_overlayer_lowered  }
0xa2: {  	s22 =	simm.s32 $0x1BFF;
	s21 =	sshll.u32 s9, $0x1;
	s6 =	sadd.s32 s7, s19  }
0xa3: {  	s10 =	simm.s32 $0x0;
	s20 =	sshll.u32 s8, $0x1;
	s8 =	sadd.s32 s21, s6  }
0xa4: {  	[timem:s10], [sflag:s22] =	dma.local [hbm:s8], s20  }
0xa5: {  	_ =	swait.ge [sflag:s22], s20  }
0xa6: {  	s7 =	ssub.s32 $0x0, s20;
	[sflag:s22] =	ssyncset.done $0x0  }
0xa7: {  	[sflag:s22] =	ssyncadd.s32 s7;
	_ =	sdelay $0x1  }
0xa8: {  	s23 =	simm.s32 $0x1B8B  }
0xa9: {  	_ =	swait.ge [sflag:s23], $0x1  }
0xaa: {  	[sflag:s23] =	ssyncset.done $0x0  }
0xab: {  	s25 =	simm.s32 $0x1B8E;
	s24 =	sld [smem:$0x3FFE];
	[sflag:s23] =	ssyncadd.s32 $0xFFFFFFFF  }
0xac: {  	s26 =	simm.s32 $execute0_lowered;
	[smem:$0x3FD2] =	sst s25  }
0xad: {  	s8 =	sshll.u32 s26, $0x1;
	_ =	strace $0x80000046;
	[dreg:$0x1] =	wrdreg $0xFFFFFFFF  }
0xae: {  	s28 =	simm.s32 $_size_execute0_lowered;
	s6 =	sadd.s32 s6, s8;
	[dreg:$0x0] =	wrdreg $0x0  }
0xaf: {  	s8 =	sshll.u32 s28, $0x1;
	[dreg:$0x2] =	wrdreg s6  }
0xb0: {  	[dreg:$0x3] =	wrdreg s8  }
0xb1: {  	[dreg:$0x4] =	wrdreg $0xC0  }
0xb2: {  	_ =	task [dreg:s10], $0x5FFFF  }
0xb3: {  	[dreg:$0x1] =	wrdreg $0xFFFFFFFF  }
0xb4: {  	[dreg:$0x0] =	wrdreg $0x60  }
0xb5: {  	[dreg:$0x2] =	wrdreg s15  }
0xb6: {  	[dreg:$0x3] =	wrdreg s24  }
0xb7: {  	[dreg:$0x4] =	wrdreg s4  }
0xb8: {  	[dreg:$0x5] =	wrdreg s16  }
0xb9: {  	[dreg:$0x6] =	wrdreg s17  }
0xba: {  	[dreg:$0x7] =	wrdreg $0x9  }
0xbb: {  	_ =	task.clear_ibuf [dreg:s10], $0x8FFFF;
	_ =	strace $0x90000046  }
0xbc: {  	s29 =	simm.s32 $0x9;
	_ =	strace $0x80000048  }
0xbd: {  	_ =	swait.ge [sflag:s29], $0x1  }
0xbe: {  	[sflag:s29] =	ssyncadd.s32 $0xFFFFFFFF  }
0xbf: {  	_ =	strace $0x90000048  }
0xc0: {  	_ =	sfence  }
0xc1: {  	s30 =	sld [smem:$0x0];
	_ =	sdelay $0x2  }
0xc2: {  	s31 =	sshll.u32 s1, $0xD;
	s1 =	sshrl.u32 s1, $0x2  }
0xc3: {  	s3 =	sand.u32 $0x4000, s31;
	s1 =	sadd.s32 s1, s30  }
0xc4: {  	s0 =	sor.u32 s3, s0;
	s1 =	sshll.u32 s1, $0x11  }
0xc5: {  	s0 =	sor.u32 s1, s0  }
0xc6: {  	s0 =	sadd.s32 $0x8F2B, s0  }
0xc7: {  	[sflag:s0] =	ssyncadd.remote.s32 $0x1  }
0xc8: {  	_ =	sfence.sel $0xFFFF  }
0xc9: {  	[dreg:$0x0] =	wrdreg $0xFFFFFFFF;
	(pc) =	sbr.abs _section_cstart, $3  }
0xca: {  	[dreg:$0x1] =	wrdreg $0xFFFFFFFF  }
0xcb: {  	_ =	task.clear_ibuf [dreg:s10], $0x2FFFF;
	_ =	strace $0x9FFFFFFF  }
0xcc: {  	(tm) =	ssettm $0x7FFFFFFF  }
0xcd: {  	_ =	shalt  }
tec
execute0_lowered:
.L_overlay_start_1:
0x0: {  	(tag) =	ssettag $0x1  }
0x1: {  	s0 =	rddreg [dreg:$0x0]  }
0x2: {  	s2 =	rddreg [dreg:$0x1]  }
0x3: {  	s1 =	rddreg [dreg:$0x2]  }
0x4: {  	s6 =	rddreg [dreg:$0x3]  }
0x5: {  	s10 =	rddreg [dreg:$0x4]  }
0x6: {  	s3 =	simm.s32 $0x0;
	s4 =	srdreg.scid;
	s5 =	stileid.u32  }
0x7: {  	s13 =	simm.s32 $0x80;
	s14 =	simm.s32 $0x10C00;
	s21 =	simm.s32 $0x400  }
0x8: {  	s22 =	simm.s32 $0x1;
	s23 =	simm.s32 $0x280;
	s24 =	simm.s32 $0x300  }
0x9: {  	s25 =	simm.s32 $0x380;
	s26 =	simm.s32 $0x2;
	s28 =	simm.s32 $0x10400  }
0xa: {  	s29 =	simm.s32 $0x10600;
	s30 =	simm.s32 $0x10800;
	s31 =	simm.s32 $0x10A00  }
0xb: {  	[smem:$0x7FF] =	sst s3;
	s4 =	sand.u32 $0x1, s4;
	s5 =	sshll.u32 s5, $0x7  }
0xc: {  	_ =	strace $0x80000047;
	s7 =	sshll.u32 s4, $0x6;
	s8 =	ssub.s32 $0x2, s4  }
0xd: {  	s4 =	sadd.s32 $0xC00, s2;
	s11 =	sor.u32 s7, s5;
	s9 =	sshrl.u32 s8, $0x1  }
0xe: {  	s0 =	sadd.s32 s0, s7;
	s2 =	sadd.s32 s11, s2;
	s12 =	ssub.s32 s8, s9  }
0xf: {  	s5 =	sadd.s32 s5, s0;
	s6 =	sadd.s32 s6, s11;
	s10 =	sadd.s32 s10, s11  }
0x10: {  	v0 =	vlaneseq.u32;
	s0 =	simm.s32 $0x0;
	s7 =	sadd.s32 $0x7AE00, s2;
	s8 =	sadd.s32 $0x7B600, s2  }
0x11: {  	v0 =	vmul.u32 $0x200, v0;
	s9 =	sadd.s32 $0x7BE00, s2;
	s11 =	smax.u32 s12, $0x1;
	s12 =	simm.s32 $0x3  }
.LBB2_1:
0x12: {  	[tilespmem:s3], [sflag:$0x3] =	stream.linear.gather [hbm4b:s5+s3], $0x200, $0x38;
	[tilespmem:$0x10E00] =	vst v63  }
0x13: {  	_ =	swait.ge [sflag:s12], $0x200  }
0x14: {  	[sflag:s12] =	ssyncset.done $0x0  }
0x15: {  	[sflag:s12] =	ssyncadd.s32 $0xFFFFFE00  }
0x16: {  	[tilespmem:s14], [sflag:$0x2] =	stream.indirect.gather [hbm4b:s1+s13], $0x1, s3, s13, $0xb8;
	[tilespmem:$0x10E00] =	vst v63  }
0x17: {  	s2 =	simm.s32 $0x10C80  }
0x18: {  	[tilespmem:s2], [sflag:$0x2] =	stream.indirect.gather [hbm4b:s1+s13], $0x1, s13, s13, $0xb8;
	[tilespmem:$0x10E00] =	vst v63  }
0x19: {  	s18 =	simm.s32 $0x100;
	s15 =	simm.s32 $0x10D00  }
0x1a: {  	[tilespmem:s15], [sflag:$0x2] =	stream.indirect.gather [hbm4b:s1+s13], $0x1, s18, s13, $0xb8;
	[tilespmem:$0x10E00] =	vst v63  }
0x1b: {  	s19 =	simm.s32 $0x180;
	s20 =	simm.s32 $0x10D80;
	s2 =	simm.s32 $0x0  }
0x1c: {  	[tilespmem:s20], [sflag:$0x2] =	stream.indirect.gather [hbm4b:s1+s13], $0x1, s19, s13, $0xb8;
	[tilespmem:$0x10E00] =	vst v63  }
0x1d: {  	s15 =	simm.s32 $0x40;
	v1 =	vld [tilespmem:s2+$0x0]  }
.LBB2_2:
0x1e: {  	p0 =	sne.s32 s15, $0x7C0  }
.Ltmp0:
0x1f: {  	_ = 	snop;
	(pc) =	sbr.rel @p0 .LBB2_2-.Ltmp0, $3  }
0x20: {  	_ =	sdelay $0x1  }
0x21: {  	s16 =	sshra.s32 s15, $0x2;
	s15 =	sadd.s32 $0x40, s15;
	v2 =	vshrl.u32 v1, $0x7  }
0x22: {  	v1 =	vld [tilespmem:s16+$0x0];
	[tilespmem:s2+$0x200] =	vst v2;
	s2 =	smov.u32 s16  }
0x23: {  	_ =	sdelay $0x3  }
0x24: {  	v1 =	vshrl.u32 v1, $0x7  }
0x25: {  	s19 =	simm.s32 $0x200;
	[tilespmem:s2+$0x200] =	vst v1  }
0x26: {  	[tilespmem:s21], [sflag:$0x1] =	stream.indirect.gather [hbm4b:s4+s13], $0x200, s19, s13, $0xb8;
	[tilespmem:$0x10E00] =	vst v63  }
0x27: {  	_ =	swait.ge [sflag:s22], $0x10000  }
0x28: {  	[sflag:s22] =	ssyncset.done $0x0  }
0x29: {  	s20 =	simm.s32 $0x0;
	[sflag:s22] =	ssyncadd.s32 $0xFFFF0000  }
0x2a: {  	v1 =	vld [tilespmem:s20+$0x0];
	_ =	sdelay $0x2  }
0x2b: {  	v2 =	vmov s20  }
0x2c: {  	v2 =	vshll.u32 v2, $0x9  }
0x2d: {  	v2 =	vor.u32 v0, v2;
	v1 =	vand.u32 $0x7F, v1  }
0x2e: {  	v1 =	vor.u32 v2, v1;
	_ =	sdelay $0x4  }
0x2f: {  	v2 =	vld.idx.msk [tilespmem:v1+s21+$0x0], $0xffff;
	_ =	sdelay $0x2  }
0x30: {  	v3 =	vor.u32 $0x80, v1;
	_ =	sdelay $0x1  }
0x31: {  	v2 =	vmul.f32 $4.480000000e+02, v2  }
0x32: {  	s2 =	simm.s32 $0x10400  }
0x33: {  	[tilespmem:s2+$0x0] =	vst v2  }
0x34: {  	v2 =	vld.idx.msk [tilespmem:v3+s21+$0x0], $0xffff;
	_ =	sdelay $0x2  }
0x35: {  	v3 =	vor.u32 $0x100, v1;
	_ =	sdelay $0x1  }
0x36: {  	v2 =	vmul.f32 $4.480000000e+02, v2  }
0x37: {  	s15 =	simm.s32 $0x10600  }
0x38: {  	[tilespmem:s15+$0x0] =	vst v2  }
0x39: {  	v2 =	vld.idx.msk [tilespmem:v3+s21+$0x0], $0xffff;
	_ =	sdelay $0x2  }
0x3a: {  	v1 =	vor.u32 $0x180, v1;
	_ =	sdelay $0x1  }
0x3b: {  	v2 =	vmul.f32 $5.120000000e+02, v2  }
0x3c: {  	s16 =	simm.s32 $0x10800  }
0x3d: {  	[tilespmem:s16+$0x0] =	vst v2  }
0x3e: {  	v1 =	vld.idx.msk [tilespmem:v1+s21+$0x0], $0xffff;
	_ =	sdelay $0x4  }
0x3f: {  	v1 =	vmul.f32 $3.840000000e+02, v1  }
0x40: {  	s17 =	simm.s32 $0x10A00  }
0x41: {  	s18 =	simm.s32 $0x10;
	[tilespmem:s17+$0x0] =	vst v1  }
0x42: {  	s19 =	simm.s32 $0x20;
	s20 =	simm.s32 $0x10;
	v1 =	vld [tilespmem:s18+$0x0]  }
.LBB2_4:
0x43: {  	p0 =	sne.s32 s19, $0x70;
	_ =	sdelay $0x1  }
0x44: {  	v2 =	vmov s18;
	s18 =	smov.u32 s19  }
0x45: {  	v2 =	vshll.u32 v2, $0x9  }
0x46: {  	v2 =	vor.u32 v0, v2;
	v1 =	vand.u32 $0x7F, v1  }
0x47: {  	v1 =	vor.u32 v2, v1;
	_ =	sdelay $0x4  }
0x48: {  	v2 =	vld.idx.msk [tilespmem:v1+s21+$0x0], $0xffff;
	_ =	sdelay $0x3  }
0x49: {  	v3 =	vor.u32 $0x80, v1;
	_ =	sdelay $0x1  }
0x4a: {  	v2 =	vmul.f32 $4.480000000e+02, v2  }
0x4b: {  	s2 =	sadd.s32 $0x10, s2  }
0x4c: {  	[tilespmem:s2+$0x0] =	vst v2  }
0x4d: {  	v2 =	vld.idx.msk [tilespmem:v3+s21+$0x0], $0xffff;
	_ =	sdelay $0x3  }
0x4e: {  	v3 =	vor.u32 $0x100, v1;
	_ =	sdelay $0x1  }
0x4f: {  	v2 =	vmul.f32 $4.480000000e+02, v2  }
0x50: {  	s15 =	sadd.s32 $0x10, s15  }
0x51: {  	[tilespmem:s15+$0x0] =	vst v2  }
0x52: {  	v2 =	vld.idx.msk [tilespmem:v3+s21+$0x0], $0xffff;
	_ =	sdelay $0x3  }
0x53: {  	v1 =	vor.u32 $0x180, v1;
	_ =	sdelay $0x1  }
0x54: {  	v2 =	vmul.f32 $5.120000000e+02, v2  }
0x55: {  	s16 =	sadd.s32 $0x10, s16  }
0x56: {  	[tilespmem:s16+$0x0] =	vst v2  }
0x57: {  	v1 =	vld.idx.msk [tilespmem:v1+s21+$0x0], $0xffff;
	_ =	sdelay $0x4  }
.Ltmp1:
0x58: {  	(pc) =	sbr.rel @p0 .LBB2_4-.Ltmp1, $4  }
0x59: {  	v1 =	vmul.f32 $3.840000000e+02, v1  }
0x5a: {  	s17 =	sadd.s32 $0x10, s17  }
0x5b: {  	s20 =	sadd.s32 $0x10, s20;
	[tilespmem:s17+$0x0] =	vst v1  }
0x5c: {  	s19 =	sadd.s32 $0x10, s19;
	v1 =	vld [tilespmem:s20+$0x0]  }
0x5d: {  	_ =	sdelay $0x1  }
0x5e: {  	v2 =	vmov s18  }
0x5f: {  	v2 =	vshll.u32 v2, $0x9  }
0x60: {  	v2 =	vor.u32 v0, v2;
	v1 =	vand.u32 $0x7F, v1  }
0x61: {  	v1 =	vor.u32 v2, v1;
	_ =	sdelay $0x4  }
0x62: {  	v2 =	vld.idx.msk [tilespmem:v1+s21+$0x0], $0xffff;
	_ =	sdelay $0x2  }
0x63: {  	v3 =	vor.u32 $0x80, v1;
	_ =	sdelay $0x1  }
0x64: {  	v2 =	vmul.f32 $4.480000000e+02, v2  }
0x65: {  	s2 =	sadd.s32 $0x10, s2  }
0x66: {  	[tilespmem:s2+$0x0] =	vst v2  }
0x67: {  	v2 =	vld.idx.msk [tilespmem:v3+s21+$0x0], $0xffff;
	_ =	sdelay $0x2  }
0x68: {  	v3 =	vor.u32 $0x100, v1;
	_ =	sdelay $0x1  }
0x69: {  	v2 =	vmul.f32 $4.480000000e+02, v2  }
0x6a: {  	s15 =	sadd.s32 $0x10, s15  }
0x6b: {  	[tilespmem:s15+$0x0] =	vst v2  }
0x6c: {  	v2 =	vld.idx.msk [tilespmem:v3+s21+$0x0], $0xffff;
	_ =	sdelay $0x2  }
0x6d: {  	v1 =	vor.u32 $0x180, v1;
	_ =	sdelay $0x1  }
0x6e: {  	v2 =	vmul.f32 $5.120000000e+02, v2  }
0x6f: {  	s16 =	sadd.s32 $0x10, s16  }
0x70: {  	[tilespmem:s16+$0x0] =	vst v2  }
0x71: {  	v1 =	vld.idx.msk [tilespmem:v1+s21+$0x0], $0xffff;
	_ =	sdelay $0x4  }
0x72: {  	v1 =	vmul.f32 $3.840000000e+02, v1  }
0x73: {  	s18 =	sadd.s32 $0x10, s17  }
0x74: {  	s19 =	simm.s32 $0x80;
	[tilespmem:s18+$0x0] =	vst v1  }
0x75: {  	[tilespmem:s21], [sflag:$0x1] =	stream.indirect.gather [hbm4b:s4+s19], $0x200, s23, s19, $0xb8;
	[tilespmem:$0x10E00] =	vst v63  }
0x76: {  	_ =	swait.ge [sflag:s22], $0x10000  }
0x77: {  	[sflag:s22] =	ssyncset.done $0x0  }
0x78: {  	[sflag:s22] =	ssyncadd.s32 $0xFFFF0000  }
0x79: {  	v1 =	vld [tilespmem:s19+$0x0];
	_ =	sdelay $0x1  }
0x7a: {  	s20 =	simm.s32 $0x0  }
0x7b: {  	v2 =	vmov s20  }
0x7c: {  	v2 =	vshll.u32 v2, $0x9  }
0x7d: {  	v2 =	vor.u32 v0, v2;
	v1 =	vand.u32 $0x7F, v1  }
0x7e: {  	v1 =	vor.u32 v2, v1;
	_ =	sdelay $0x4  }
0x7f: {  	v2 =	vld.idx.msk [tilespmem:v1+s21+$0x0], $0xffff;
	_ =	sdelay $0x2  }
0x80: {  	v3 =	vor.u32 $0x80, v1;
	_ =	sdelay $0x1  }
0x81: {  	v2 =	vmul.f32 $4.480000000e+02, v2  }
0x82: {  	s2 =	simm.s32 $0x10480  }
0x83: {  	[tilespmem:s2+$0x0] =	vst v2  }
0x84: {  	v2 =	vld.idx.msk [tilespmem:v3+s21+$0x0], $0xffff;
	_ =	sdelay $0x2  }
0x85: {  	v3 =	vor.u32 $0x100, v1;
	_ =	sdelay $0x1  }
0x86: {  	v2 =	vmul.f32 $4.480000000e+02, v2  }
0x87: {  	s15 =	simm.s32 $0x10680  }
0x88: {  	[tilespmem:s15+$0x0] =	vst v2  }
0x89: {  	v2 =	vld.idx.msk [tilespmem:v3+s21+$0x0], $0xffff;
	_ =	sdelay $0x2  }
0x8a: {  	v1 =	vor.u32 $0x180, v1;
	_ =	sdelay $0x1  }
0x8b: {  	v2 =	vmul.f32 $5.120000000e+02, v2  }
0x8c: {  	s16 =	simm.s32 $0x10880  }
0x8d: {  	[tilespmem:s16+$0x0] =	vst v2  }
0x8e: {  	v1 =	vld.idx.msk [tilespmem:v1+s21+$0x0], $0xffff;
	_ =	sdelay $0x4  }
0x8f: {  	v1 =	vmul.f32 $3.840000000e+02, v1  }
0x90: {  	s17 =	simm.s32 $0x10A80  }
0x91: {  	s18 =	simm.s32 $0x90;
	[tilespmem:s17+$0x0] =	vst v1  }
0x92: {  	s20 =	simm.s32 $0x20;
	s19 =	simm.s32 $0x10;
	v1 =	vld [tilespmem:s18+$0x0]  }
.LBB2_6:
0x93: {  	p0 =	sne.s32 s20, $0x70;
	_ =	sdelay $0x1  }
0x94: {  	v2 =	vmov s19;
	s19 =	smov.u32 s20  }
0x95: {  	v2 =	vshll.u32 v2, $0x9  }
0x96: {  	v2 =	vor.u32 v0, v2;
	v1 =	vand.u32 $0x7F, v1  }
0x97: {  	v1 =	vor.u32 v2, v1;
	_ =	sdelay $0x4  }
0x98: {  	v2 =	vld.idx.msk [tilespmem:v1+s21+$0x0], $0xffff;
	_ =	sdelay $0x3  }
0x99: {  	v3 =	vor.u32 $0x80, v1;
	_ =	sdelay $0x1  }
0x9a: {  	v2 =	vmul.f32 $4.480000000e+02, v2  }
0x9b: {  	s2 =	sadd.s32 $0x10, s2  }
0x9c: {  	[tilespmem:s2+$0x0] =	vst v2  }
0x9d: {  	v2 =	vld.idx.msk [tilespmem:v3+s21+$0x0], $0xffff;
	_ =	sdelay $0x3  }
0x9e: {  	v3 =	vor.u32 $0x100, v1;
	_ =	sdelay $0x1  }
0x9f: {  	v2 =	vmul.f32 $4.480000000e+02, v2  }
0xa0: {  	s15 =	sadd.s32 $0x10, s15  }
0xa1: {  	[tilespmem:s15+$0x0] =	vst v2  }
0xa2: {  	v2 =	vld.idx.msk [tilespmem:v3+s21+$0x0], $0xffff;
	_ =	sdelay $0x3  }
0xa3: {  	v1 =	vor.u32 $0x180, v1;
	_ =	sdelay $0x1  }
0xa4: {  	v2 =	vmul.f32 $5.120000000e+02, v2  }
0xa5: {  	s16 =	sadd.s32 $0x10, s16  }
0xa6: {  	[tilespmem:s16+$0x0] =	vst v2  }
0xa7: {  	v1 =	vld.idx.msk [tilespmem:v1+s21+$0x0], $0xffff;
	_ =	sdelay $0x4  }
.Ltmp2:
0xa8: {  	(pc) =	sbr.rel @p0 .LBB2_6-.Ltmp2, $4  }
0xa9: {  	v1 =	vmul.f32 $3.840000000e+02, v1  }
0xaa: {  	s17 =	sadd.s32 $0x10, s17  }
0xab: {  	s18 =	sadd.s32 $0x10, s18;
	[tilespmem:s17+$0x0] =	vst v1  }
0xac: {  	s20 =	sadd.s32 $0x10, s20;
	v1 =	vld [tilespmem:s18+$0x0]  }
0xad: {  	_ =	sdelay $0x1  }
0xae: {  	v2 =	vmov s19  }
0xaf: {  	v2 =	vshll.u32 v2, $0x9  }
0xb0: {  	v2 =	vor.u32 v0, v2;
	v1 =	vand.u32 $0x7F, v1  }
0xb1: {  	v1 =	vor.u32 v2, v1;
	_ =	sdelay $0x4  }
0xb2: {  	v2 =	vld.idx.msk [tilespmem:v1+s21+$0x0], $0xffff;
	_ =	sdelay $0x2  }
0xb3: {  	v3 =	vor.u32 $0x80, v1;
	_ =	sdelay $0x1  }
0xb4: {  	v2 =	vmul.f32 $4.480000000e+02, v2  }
0xb5: {  	s2 =	sadd.s32 $0x10, s2  }
0xb6: {  	[tilespmem:s2+$0x0] =	vst v2  }
0xb7: {  	v2 =	vld.idx.msk [tilespmem:v3+s21+$0x0], $0xffff;
	_ =	sdelay $0x2  }
0xb8: {  	v3 =	vor.u32 $0x100, v1;
	_ =	sdelay $0x1  }
0xb9: {  	v2 =	vmul.f32 $4.480000000e+02, v2  }
0xba: {  	s15 =	sadd.s32 $0x10, s15  }
0xbb: {  	[tilespmem:s15+$0x0] =	vst v2  }
0xbc: {  	v2 =	vld.idx.msk [tilespmem:v3+s21+$0x0], $0xffff;
	_ =	sdelay $0x2  }
0xbd: {  	v1 =	vor.u32 $0x180, v1;
	_ =	sdelay $0x1  }
0xbe: {  	v2 =	vmul.f32 $5.120000000e+02, v2  }
0xbf: {  	s16 =	sadd.s32 $0x10, s16  }
0xc0: {  	[tilespmem:s16+$0x0] =	vst v2  }
0xc1: {  	v1 =	vld.idx.msk [tilespmem:v1+s21+$0x0], $0xffff;
	_ =	sdelay $0x4  }
0xc2: {  	v1 =	vmul.f32 $3.840000000e+02, v1  }
0xc3: {  	s18 =	sadd.s32 $0x10, s17  }
0xc4: {  	[tilespmem:s18+$0x0] =	vst v1  }
0xc5: {  	[tilespmem:s21], [sflag:$0x1] =	stream.indirect.gather [hbm4b:s4+s13], $0x200, s24, s13, $0xb8;
	[tilespmem:$0x10E00] =	vst v63  }
0xc6: {  	_ =	swait.ge [sflag:s22], $0x10000  }
0xc7: {  	[sflag:s22] =	ssyncset.done $0x0  }
0xc8: {  	s19 =	simm.s32 $0x100;
	[sflag:s22] =	ssyncadd.s32 $0xFFFF0000  }
0xc9: {  	v1 =	vld [tilespmem:s19+$0x0];
	_ =	sdelay $0x1  }
0xca: {  	s20 =	simm.s32 $0x0  }
0xcb: {  	v2 =	vmov s20  }
0xcc: {  	v2 =	vshll.u32 v2, $0x9  }
0xcd: {  	v2 =	vor.u32 v0, v2;
	v1 =	vand.u32 $0x7F, v1  }
0xce: {  	v1 =	vor.u32 v2, v1;
	_ =	sdelay $0x4  }
0xcf: {  	v2 =	vld.idx.msk [tilespmem:v1+s21+$0x0], $0xffff;
	_ =	sdelay $0x2  }
0xd0: {  	v3 =	vor.u32 $0x80, v1;
	_ =	sdelay $0x1  }
0xd1: {  	v2 =	vmul.f32 $4.480000000e+02, v2  }
0xd2: {  	s2 =	simm.s32 $0x10500  }
0xd3: {  	[tilespmem:s2+$0x0] =	vst v2  }
0xd4: {  	v2 =	vld.idx.msk [tilespmem:v3+s21+$0x0], $0xffff;
	_ =	sdelay $0x2  }
0xd5: {  	v3 =	vor.u32 $0x100, v1;
	_ =	sdelay $0x1  }
0xd6: {  	v2 =	vmul.f32 $4.480000000e+02, v2  }
0xd7: {  	s15 =	simm.s32 $0x10700  }
0xd8: {  	[tilespmem:s15+$0x0] =	vst v2  }
0xd9: {  	v2 =	vld.idx.msk [tilespmem:v3+s21+$0x0], $0xffff;
	_ =	sdelay $0x2  }
0xda: {  	v1 =	vor.u32 $0x180, v1;
	_ =	sdelay $0x1  }
0xdb: {  	v2 =	vmul.f32 $5.120000000e+02, v2  }
0xdc: {  	s16 =	simm.s32 $0x10900  }
0xdd: {  	[tilespmem:s16+$0x0] =	vst v2  }
0xde: {  	v1 =	vld.idx.msk [tilespmem:v1+s21+$0x0], $0xffff;
	_ =	sdelay $0x4  }
0xdf: {  	v1 =	vmul.f32 $3.840000000e+02, v1  }
0xe0: {  	s17 =	simm.s32 $0x10B00  }
0xe1: {  	s18 =	simm.s32 $0x110;
	[tilespmem:s17+$0x0] =	vst v1  }
0xe2: {  	s20 =	simm.s32 $0x20;
	s19 =	simm.s32 $0x10;
	v1 =	vld [tilespmem:s18+$0x0]  }
.LBB2_8:
0xe3: {  	p0 =	sne.s32 s20, $0x70;
	_ =	sdelay $0x1  }
0xe4: {  	v2 =	vmov s19;
	s19 =	smov.u32 s20  }
0xe5: {  	v2 =	vshll.u32 v2, $0x9  }
0xe6: {  	v2 =	vor.u32 v0, v2;
	v1 =	vand.u32 $0x7F, v1  }
0xe7: {  	v1 =	vor.u32 v2, v1;
	_ =	sdelay $0x4  }
0xe8: {  	v2 =	vld.idx.msk [tilespmem:v1+s21+$0x0], $0xffff;
	_ =	sdelay $0x3  }
0xe9: {  	v3 =	vor.u32 $0x80, v1;
	_ =	sdelay $0x1  }
0xea: {  	v2 =	vmul.f32 $4.480000000e+02, v2  }
0xeb: {  	s2 =	sadd.s32 $0x10, s2  }
0xec: {  	[tilespmem:s2+$0x0] =	vst v2  }
0xed: {  	v2 =	vld.idx.msk [tilespmem:v3+s21+$0x0], $0xffff;
	_ =	sdelay $0x3  }
0xee: {  	v3 =	vor.u32 $0x100, v1;
	_ =	sdelay $0x1  }
0xef: {  	v2 =	vmul.f32 $4.480000000e+02, v2  }
0xf0: {  	s15 =	sadd.s32 $0x10, s15  }
0xf1: {  	[tilespmem:s15+$0x0] =	vst v2  }
0xf2: {  	v2 =	vld.idx.msk [tilespmem:v3+s21+$0x0], $0xffff;
	_ =	sdelay $0x3  }
0xf3: {  	v1 =	vor.u32 $0x180, v1;
	_ =	sdelay $0x1  }
0xf4: {  	v2 =	vmul.f32 $5.120000000e+02, v2  }
0xf5: {  	s16 =	sadd.s32 $0x10, s16  }
0xf6: {  	[tilespmem:s16+$0x0] =	vst v2  }
0xf7: {  	v1 =	vld.idx.msk [tilespmem:v1+s21+$0x0], $0xffff;
	_ =	sdelay $0x4  }
.Ltmp3:
0xf8: {  	(pc) =	sbr.rel @p0 .LBB2_8-.Ltmp3, $4  }
0xf9: {  	v1 =	vmul.f32 $3.840000000e+02, v1  }
0xfa: {  	s17 =	sadd.s32 $0x10, s17  }
0xfb: {  	s18 =	sadd.s32 $0x10, s18;
	[tilespmem:s17+$0x0] =	vst v1  }
0xfc: {  	s20 =	sadd.s32 $0x10, s20;
	v1 =	vld [tilespmem:s18+$0x0]  }
0xfd: {  	_ =	sdelay $0x1  }
0xfe: {  	v2 =	vmov s19  }
0xff: {  	v2 =	vshll.u32 v2, $0x9  }
0x100: {  	v2 =	vor.u32 v0, v2;
	v1 =	vand.u32 $0x7F, v1  }
0x101: {  	v1 =	vor.u32 v2, v1;
	_ =	sdelay $0x4  }
0x102: {  	v2 =	vld.idx.msk [tilespmem:v1+s21+$0x0], $0xffff;
	_ =	sdelay $0x2  }
0x103: {  	v3 =	vor.u32 $0x80, v1;
	_ =	sdelay $0x1  }
0x104: {  	v2 =	vmul.f32 $4.480000000e+02, v2  }
0x105: {  	s2 =	sadd.s32 $0x10, s2  }
0x106: {  	[tilespmem:s2+$0x0] =	vst v2  }
0x107: {  	v2 =	vld.idx.msk [tilespmem:v3+s21+$0x0], $0xffff;
	_ =	sdelay $0x2  }
0x108: {  	v3 =	vor.u32 $0x100, v1;
	_ =	sdelay $0x1  }
0x109: {  	v2 =	vmul.f32 $4.480000000e+02, v2  }
0x10a: {  	s15 =	sadd.s32 $0x10, s15  }
0x10b: {  	[tilespmem:s15+$0x0] =	vst v2  }
0x10c: {  	v2 =	vld.idx.msk [tilespmem:v3+s21+$0x0], $0xffff;
	_ =	sdelay $0x2  }
0x10d: {  	v1 =	vor.u32 $0x180, v1;
	_ =	sdelay $0x1  }
0x10e: {  	v2 =	vmul.f32 $5.120000000e+02, v2  }
0x10f: {  	s16 =	sadd.s32 $0x10, s16  }
0x110: {  	[tilespmem:s16+$0x0] =	vst v2  }
0x111: {  	v1 =	vld.idx.msk [tilespmem:v1+s21+$0x0], $0xffff;
	_ =	sdelay $0x4  }
0x112: {  	v1 =	vmul.f32 $3.840000000e+02, v1  }
0x113: {  	s18 =	sadd.s32 $0x10, s17  }
0x114: {  	[tilespmem:s18+$0x0] =	vst v1  }
0x115: {  	[tilespmem:s21], [sflag:$0x1] =	stream.indirect.gather [hbm4b:s4+s13], $0x200, s25, s13, $0xb8;
	[tilespmem:$0x10E00] =	vst v63  }
0x116: {  	_ =	swait.ge [sflag:s22], $0x10000  }
0x117: {  	[sflag:s22] =	ssyncset.done $0x0  }
0x118: {  	s19 =	simm.s32 $0x180;
	[sflag:s22] =	ssyncadd.s32 $0xFFFF0000  }
0x119: {  	v1 =	vld [tilespmem:s19+$0x0];
	_ =	sdelay $0x1  }
0x11a: {  	s20 =	simm.s32 $0x0  }
0x11b: {  	v2 =	vmov s20  }
0x11c: {  	v2 =	vshll.u32 v2, $0x9  }
0x11d: {  	v2 =	vor.u32 v0, v2;
	v1 =	vand.u32 $0x7F, v1  }
0x11e: {  	v1 =	vor.u32 v2, v1;
	_ =	sdelay $0x4  }
0x11f: {  	v2 =	vld.idx.msk [tilespmem:v1+s21+$0x0], $0xffff;
	_ =	sdelay $0x2  }
0x120: {  	v3 =	vor.u32 $0x80, v1;
	_ =	sdelay $0x1  }
0x121: {  	v2 =	vmul.f32 $4.480000000e+02, v2  }
0x122: {  	s2 =	simm.s32 $0x10580  }
0x123: {  	[tilespmem:s2+$0x0] =	vst v2  }
0x124: {  	v2 =	vld.idx.msk [tilespmem:v3+s21+$0x0], $0xffff;
	_ =	sdelay $0x2  }
0x125: {  	v3 =	vor.u32 $0x100, v1;
	_ =	sdelay $0x1  }
0x126: {  	v2 =	vmul.f32 $4.480000000e+02, v2  }
0x127: {  	s15 =	simm.s32 $0x10780  }
0x128: {  	[tilespmem:s15+$0x0] =	vst v2  }
0x129: {  	v2 =	vld.idx.msk [tilespmem:v3+s21+$0x0], $0xffff;
	_ =	sdelay $0x2  }
0x12a: {  	v1 =	vor.u32 $0x180, v1;
	_ =	sdelay $0x1  }
0x12b: {  	v2 =	vmul.f32 $5.120000000e+02, v2  }
0x12c: {  	s16 =	simm.s32 $0x10980  }
0x12d: {  	[tilespmem:s16+$0x0] =	vst v2  }
0x12e: {  	v1 =	vld.idx.msk [tilespmem:v1+s21+$0x0], $0xffff;
	_ =	sdelay $0x4  }
0x12f: {  	v1 =	vmul.f32 $3.840000000e+02, v1  }
0x130: {  	s17 =	simm.s32 $0x10B80  }
0x131: {  	s18 =	simm.s32 $0x190;
	[tilespmem:s17+$0x0] =	vst v1  }
0x132: {  	s20 =	simm.s32 $0x20;
	s19 =	simm.s32 $0x10;
	v1 =	vld [tilespmem:s18+$0x0]  }
.LBB2_10:
0x133: {  	p0 =	sne.s32 s20, $0x70;
	_ =	sdelay $0x1  }
0x134: {  	v2 =	vmov s19;
	s19 =	smov.u32 s20  }
0x135: {  	v2 =	vshll.u32 v2, $0x9  }
0x136: {  	v2 =	vor.u32 v0, v2;
	v1 =	vand.u32 $0x7F, v1  }
0x137: {  	v1 =	vor.u32 v2, v1;
	_ =	sdelay $0x4  }
0x138: {  	v2 =	vld.idx.msk [tilespmem:v1+s21+$0x0], $0xffff;
	_ =	sdelay $0x3  }
0x139: {  	v3 =	vor.u32 $0x80, v1;
	_ =	sdelay $0x1  }
0x13a: {  	v2 =	vmul.f32 $4.480000000e+02, v2  }
0x13b: {  	s2 =	sadd.s32 $0x10, s2  }
0x13c: {  	[tilespmem:s2+$0x0] =	vst v2  }
0x13d: {  	v2 =	vld.idx.msk [tilespmem:v3+s21+$0x0], $0xffff;
	_ =	sdelay $0x3  }
0x13e: {  	v3 =	vor.u32 $0x100, v1;
	_ =	sdelay $0x1  }
0x13f: {  	v2 =	vmul.f32 $4.480000000e+02, v2  }
0x140: {  	s15 =	sadd.s32 $0x10, s15  }
0x141: {  	[tilespmem:s15+$0x0] =	vst v2  }
0x142: {  	v2 =	vld.idx.msk [tilespmem:v3+s21+$0x0], $0xffff;
	_ =	sdelay $0x3  }
0x143: {  	v1 =	vor.u32 $0x180, v1;
	_ =	sdelay $0x1  }
0x144: {  	v2 =	vmul.f32 $5.120000000e+02, v2  }
0x145: {  	s16 =	sadd.s32 $0x10, s16  }
0x146: {  	[tilespmem:s16+$0x0] =	vst v2  }
0x147: {  	v1 =	vld.idx.msk [tilespmem:v1+s21+$0x0], $0xffff;
	_ =	sdelay $0x4  }
.Ltmp4:
0x148: {  	(pc) =	sbr.rel @p0 .LBB2_10-.Ltmp4, $4  }
0x149: {  	v1 =	vmul.f32 $3.840000000e+02, v1  }
0x14a: {  	s17 =	sadd.s32 $0x10, s17  }
0x14b: {  	s18 =	sadd.s32 $0x10, s18;
	[tilespmem:s17+$0x0] =	vst v1  }
0x14c: {  	s20 =	sadd.s32 $0x10, s20;
	v1 =	vld [tilespmem:s18+$0x0]  }
0x14d: {  	_ =	sdelay $0x1  }
0x14e: {  	v2 =	vmov s19  }
0x14f: {  	v2 =	vshll.u32 v2, $0x9  }
0x150: {  	v2 =	vor.u32 v0, v2;
	v1 =	vand.u32 $0x7F, v1  }
0x151: {  	v1 =	vor.u32 v2, v1;
	_ =	sdelay $0x4  }
0x152: {  	v2 =	vld.idx.msk [tilespmem:v1+s21+$0x0], $0xffff;
	_ =	sdelay $0x2  }
0x153: {  	v3 =	vor.u32 $0x80, v1;
	_ =	sdelay $0x1  }
0x154: {  	v2 =	vmul.f32 $4.480000000e+02, v2  }
0x155: {  	s2 =	sadd.s32 $0x10, s2  }
0x156: {  	[tilespmem:s2+$0x0] =	vst v2  }
0x157: {  	v2 =	vld.idx.msk [tilespmem:v3+s21+$0x0], $0xffff;
	_ =	sdelay $0x2  }
0x158: {  	v3 =	vor.u32 $0x100, v1;
	_ =	sdelay $0x1  }
0x159: {  	v2 =	vmul.f32 $4.480000000e+02, v2  }
0x15a: {  	s18 =	sadd.s32 $0x10, s15  }
0x15b: {  	[tilespmem:s18+$0x0] =	vst v2  }
0x15c: {  	v2 =	vld.idx.msk [tilespmem:v3+s21+$0x0], $0xffff;
	_ =	sdelay $0x2  }
0x15d: {  	v1 =	vor.u32 $0x180, v1;
	_ =	sdelay $0x1  }
0x15e: {  	v2 =	vmul.f32 $5.120000000e+02, v2  }
0x15f: {  	s19 =	sadd.s32 $0x10, s16  }
0x160: {  	[tilespmem:s19+$0x0] =	vst v2  }
0x161: {  	v1 =	vld.idx.msk [tilespmem:v1+s21+$0x0], $0xffff;
	_ =	sdelay $0x4  }
0x162: {  	v1 =	vmul.f32 $3.840000000e+02, v1  }
0x163: {  	s20 =	sadd.s32 $0x10, s17  }
0x164: {  	[tilespmem:s20+$0x0] =	vst v1  }
0x165: {  	_ =	swait.ge [sflag:s26], $0x80  }
0x166: {  	[sflag:s26] =	ssyncset.done $0x0  }
0x167: {  	[sflag:s26] =	ssyncadd.s32 $0xFFFFFF80  }
0x168: {  	_ =	swait.ge [sflag:s26], $0x80  }
0x169: {  	[sflag:s26] =	ssyncset.done $0x0  }
0x16a: {  	[sflag:s26] =	ssyncadd.s32 $0xFFFFFF80  }
0x16b: {  	_ =	swait.ge [sflag:s26], $0x80  }
0x16c: {  	[sflag:s26] =	ssyncset.done $0x0  }
0x16d: {  	[sflag:s26] =	ssyncadd.s32 $0xFFFFFF80  }
0x16e: {  	_ =	swait.ge [sflag:s26], $0x80  }
0x16f: {  	[sflag:s26] =	ssyncset.done $0x0  }
0x170: {  	[sflag:s26] =	ssyncadd.s32 $0xFFFFFF80  }
0x171: {  	[hbm4b:s6+s3] =	stream.linear.scatter [tilespmem:s28], [sflag:$0x3], $0x200, $0x38;
	[tilespmem:$0x10E00] =	vst v63  }
0x172: {  	_ =	swait.ge [sflag:s12], $0x200  }
0x173: {  	[sflag:s12] =	ssyncset.done $0x0  }
0x174: {  	[sflag:s12] =	ssyncadd.s32 $0xFFFFFE00  }
0x175: {  	[hbm4b:s7+s3] =	stream.linear.scatter [tilespmem:s29], [sflag:$0x3], $0x200, $0x38;
	[tilespmem:$0x10E00] =	vst v63  }
0x176: {  	_ =	swait.ge [sflag:s12], $0x200  }
0x177: {  	[sflag:s12] =	ssyncset.done $0x0  }
0x178: {  	[sflag:s12] =	ssyncadd.s32 $0xFFFFFE00  }
0x179: {  	[hbm4b:s8+s3] =	stream.linear.scatter [tilespmem:s30], [sflag:$0x3], $0x200, $0x38;
	[tilespmem:$0x10E00] =	vst v63  }
0x17a: {  	_ =	swait.ge [sflag:s12], $0x200  }
0x17b: {  	[sflag:s12] =	ssyncset.done $0x0  }
0x17c: {  	[sflag:s12] =	ssyncadd.s32 $0xFFFFFE00  }
0x17d: {  	[hbm4b:s9+s3] =	stream.linear.scatter [tilespmem:s31], [sflag:$0x3], $0x200, $0x38;
	[tilespmem:$0x10E00] =	vst v63  }
0x17e: {  	s0 =	sadd.s32 $0x1, s0;
	_ =	swait.ge [sflag:s12], $0x200  }
0x17f: {  	p0 =	sne.s32 s0, s11;
	[sflag:s12] =	ssyncset.done $0x0  }
.Ltmp5:
0x180: {  	[sflag:s12] =	ssyncadd.s32 $0xFFFFFE00;
	(pc) =	sbr.rel @p0 .LBB2_1-.Ltmp5, $4  }
0x181: {  	[hbm4b:s10+s3] =	stream.linear.scatter [tilespmem:s14], [sflag:$0x3], $0x200, $0x38;
	[tilespmem:$0x10E00] =	vst v63  }
0x182: {  	_ =	swait.ge [sflag:s12], $0x200  }
0x183: {  	[sflag:s12] =	ssyncset.done $0x0  }
0x184: {  	[sflag:s12] =	ssyncadd.s32 $0xFFFFFE00  }
0x185: {  	_ =	sfence.sel $0x180000  }
0x186: {  	[bflag:$0x0] =	sbarrier.arrive $0xFFFF  }
0x187: {  	_ =	strace $0x90000047  }
0x188: {  	s0 =	stileid.u32;
	[bflag:$0x2] =	sbarrier.arrive $0xFFFF  }
0x189: {  	p0 =	sne.s32 s0, $0x0;
	s0 =	rddreg [dreg:$0x5]  }
0x18a: {  	s0 =	sadd.s32 @!p0 $0x100000, s0  }
0x18b: {  	[sflag:s0] =	ssyncadd.tile.s32 @!p0 $0x1;
	_ =	shalt  }
.Lfunc_end2:
_tile_overlayer_lowered:
.L_overlay_start_2:
0x18c: {  	(tag) =	ssettag $0x2  }
0x18d: {  	s0 =	rddreg [dreg:$0x0];
	s2 =	stileid.u32  }
0x18e: {  	s1 =	rddreg [dreg:$0x1];
	p0 =	sne.s32 s2, $0x0  }
0x18f: {  	s3 =	rddreg [dreg:$0x2];
	[bflag:$0x3] =	sbarrier.arrive $0xFFFF;
	s2 =	simm.s32 @!p0 $0x1C03  }
0x190: {  	[timem:s3], [sflag:s2] =	dma.local @!p0 [hbm:s0], s1  }
0x191: {  	s0 =	simm.s32 @!p0 $0x3  }
0x192: {  	_ =	swait.ge @!p0 [sflag:s0], s1  }
0x193: {  	s1 =	ssub.s32 @!p0 $0x0, s1;
	[sflag:s0] =	ssyncset.done @!p0 $0x0  }
0x194: {  	[sflag:s0] =	ssyncadd.s32 @!p0 s1  }
0x195: {  	[bflag:$0x3] =	sbarrier.arrive $0xFFFF  }
0x196: {  	_ =	shalt  }

</sc_bundles>
